<compile_context>
chip_gen: v7x
topology: tpu7x:2x2x1
jax: 0.10.2.dev20260603
libtpu: 0.0.44.dev20260713+nightly
codegen_flags: <defaults>
</compile_context>

<pallas_src>
import dataclasses
import functools

import jax
import jax.numpy as jnp
from jax import lax
from jax.experimental import pallas as pl
from jax.experimental.pallas import tpu as pltpu
from jax.experimental.pallas import tpu_sc as plsc

N_NODES = 10000
N_EDGES = 320000
D = 128
N_GRAPHS = 64

NC, NS = 2, 16
NW = NC * NS
CHUNK = 128
N_CH = 80
NBUF = 2
E_PAD = NW * N_CH * CHUNK
NPAD = 10240
RPT = NPAD // NS
RBLK = 1024
N_RBLK = NPAD // RBLK

_mesh = plsc.VectorSubcoreMesh(core_axis_name="c", subcore_axis_name="s")

_cp = pltpu.CompilerParams()
if "needs_layout_passes" in pltpu.CompilerParams.__dataclass_fields__:
    _cp = dataclasses.replace(_cp, needs_layout_passes=False)



@functools.partial(
    pl.kernel,
    mesh=_mesh,
    compiler_params=_cp,
    out_type=jax.ShapeDtypeStruct((NW, NPAD), jnp.float32),
    scratch_types=[
        pltpu.VMEM((N_CH, CHUNK), jnp.int32),
        pltpu.VMEM((NPAD,), jnp.float32),
    ],
)
def _deg_hist(dst_hbm, zeros_hbm, out_hbm, idx_v, hist_v):
    cid = lax.axis_index("c")
    sid = lax.axis_index("s")
    wid = cid * NS + sid
    pltpu.sync_copy(zeros_hbm, hist_v)
    pltpu.sync_copy(dst_hbm.at[wid], idx_v)
    ones = jnp.ones((16,), jnp.float32)

    @pl.loop(0, N_CH)
    def _(j):
        for c in range(CHUNK // 16):
            idx16 = idx_v[j, pl.ds(c * 16, 16)]
            plsc.addupdate_scatter(hist_v, [idx16], ones)

    pltpu.sync_copy(hist_v, out_hbm.at[wid])


PH = 2
PCH = N_CH // PH


@functools.partial(
    pl.kernel,
    mesh=_mesh,
    out_type=jax.ShapeDtypeStruct((NC, NPAD, D), jnp.float32),
    scratch_types=[
        pltpu.VMEM((PCH, CHUNK), jnp.int32),
        pltpu.VMEM((PCH, CHUNK), jnp.int32),
    ] + [pltpu.VMEM((CHUNK, D), jnp.float32)] * NBUF
      + [pltpu.VMEM_SHARED((NPAD, D), jnp.float32)]
      + [pltpu.SemaphoreType.DMA] * NBUF,
)
def _edge_scatter(y_hbm, src_hbm, dst_hbm, zrows_hbm, out_hbm,
                  src_v, dst_v, r0, r1, acc_sh, g0, g1):
    rows = (r0, r1)
    gsem = (g0, g1)
    cid = lax.axis_index("c")
    sid = lax.axis_index("s")
    wid = cid * NS + sid
    pltpu.sync_copy(zrows_hbm, acc_sh.at[pl.ds(sid * RPT, RPT)])
    plsc.subcore_barrier()

    for p in range(PH):
        pltpu.sync_copy(src_hbm.at[wid, pl.ds(p * PCH, PCH)], src_v)
        pltpu.sync_copy(dst_hbm.at[wid, pl.ds(p * PCH, PCH)], dst_v)
        for b in range(NBUF):
            pltpu.async_copy(y_hbm.at[src_v.at[b]], rows[b], gsem[b])

        @pl.loop(0, PCH // NBUF)
        def _(o):
            for b in range(NBUF):
                k = o * NBUF + b
                pltpu.make_async_copy(
                    y_hbm.at[src_v.at[k]], rows[b], gsem[b]).wait()
                pltpu.sync_copy(rows[b], acc_sh.at[dst_v.at[k]], add=True)

                @pl.when(k + NBUF < PCH)
                def _():
                    pltpu.async_copy(
                        y_hbm.at[src_v.at[k + NBUF]], rows[b], gsem[b])

    plsc.subcore_barrier()
    pltpu.sync_copy(acc_sh.at[pl.ds(sid * RPT, RPT)],
                    out_hbm.at[cid, pl.ds(sid * RPT, RPT)])



def _mm_body(x_ref, w_ref, o_ref):
    o_ref[...] = jnp.dot(x_ref[...].astype(jnp.bfloat16),
                         w_ref[...].astype(jnp.bfloat16),
                         preferred_element_type=jnp.float32)


_mm = pl.pallas_call(
    _mm_body,
    grid=(N_RBLK,),
    in_specs=[pl.BlockSpec((RBLK, D), lambda i: (i, 0)),
              pl.BlockSpec((D, D), lambda i: (0, 0))],
    out_specs=pl.BlockSpec((RBLK, D), lambda i: (i, 0)),
    out_shape=jax.ShapeDtypeStruct((NPAD, D), jnp.float32),
)


def _dinv_of(deg_ref):
    deg = jnp.sum(deg_ref[...], axis=0) + 1.0
    return (1.0 / jnp.sqrt(deg))[:, None]


def _scale_body(deg_ref, v_ref, o_ref):
    o_ref[...] = _dinv_of(deg_ref) * v_ref[...]


_scale = pl.pallas_call(
    _scale_body,
    grid=(N_RBLK,),
    in_specs=[pl.BlockSpec((NW, RBLK), lambda i: (0, i)),
              pl.BlockSpec((RBLK, D), lambda i: (i, 0))],
    out_specs=pl.BlockSpec((RBLK, D), lambda i: (i, 0)),
    out_shape=jax.ShapeDtypeStruct((NPAD, D), jnp.float32),
)


def _layer_body(deg_ref, s_ref, y_ref, b_ref, w_ref, o_ref):
    dinv = _dinv_of(deg_ref)
    h = dinv * (s_ref[0] + s_ref[1] + y_ref[...]) + b_ref[...]
    h = jnp.maximum(h, 0.0)
    o_ref[...] = dinv * jnp.dot(h.astype(jnp.bfloat16),
                                w_ref[...].astype(jnp.bfloat16),
                                preferred_element_type=jnp.float32)


_layer = pl.pallas_call(
    _layer_body,
    grid=(N_RBLK,),
    in_specs=[pl.BlockSpec((NW, RBLK), lambda i: (0, i)),
              pl.BlockSpec((NC, RBLK, D), lambda i: (0, i, 0)),
              pl.BlockSpec((RBLK, D), lambda i: (i, 0)),
              pl.BlockSpec((1, D), lambda i: (0, 0)),
              pl.BlockSpec((D, D), lambda i: (0, 0))],
    out_specs=pl.BlockSpec((RBLK, D), lambda i: (i, 0)),
    out_shape=jax.ShapeDtypeStruct((NPAD, D), jnp.float32),
)


def _pool_body(deg_ref, t_ref, z_ref, batch_ref, b2_ref, wp_ref, bp_ref,
               emb_ref, out_ref, acc, cnt):
    i = pl.program_id(0)

    @pl.when(i == 0)
    def _():
        acc[...] = jnp.zeros_like(acc)
        cnt[...] = jnp.zeros_like(cnt)

    dinv = _dinv_of(deg_ref)
    h2 = dinv * (t_ref[0] + t_ref[1] + z_ref[...])
    b = batch_ref[0, 0, :]
    gids = lax.broadcasted_iota(jnp.int32, (N_GRAPHS, RBLK), 0)
    oh = (b[None, :] == gids).astype(jnp.float32)
    acc[...] += jnp.dot(oh, h2, preferred_element_type=jnp.float32,
                        precision=lax.Precision.HIGHEST)
    csum = jnp.sum(oh, axis=1, keepdims=True)
    cnt[...] += jnp.broadcast_to(csum, (N_GRAPHS, D))

    @pl.when(i == N_RBLK - 1)
    def _():
        emb = acc[...] / jnp.maximum(cnt[...], 1.0) + b2_ref[...]
        emb_ref[...] = emb
        out_ref[...] = jnp.dot(emb.astype(jnp.bfloat16),
                               wp_ref[...].astype(jnp.bfloat16),
                               preferred_element_type=jnp.float32) + bp_ref[...]


_pool = pl.pallas_call(
    _pool_body,
    grid=(N_RBLK,),
    in_specs=[pl.BlockSpec((NW, RBLK), lambda i: (0, i)),
              pl.BlockSpec((NC, RBLK, D), lambda i: (0, i, 0)),
              pl.BlockSpec((RBLK, D), lambda i: (i, 0)),
              pl.BlockSpec((1, 1, RBLK), lambda i: (i, 0, 0)),
              pl.BlockSpec((1, D), lambda i: (0, 0)),
              pl.BlockSpec((D, D), lambda i: (0, 0)),
              pl.BlockSpec((1, D), lambda i: (0, 0))],
    out_specs=[pl.BlockSpec((N_GRAPHS, D), lambda i: (0, 0)),
               pl.BlockSpec((N_GRAPHS, D), lambda i: (0, 0))],
    out_shape=[jax.ShapeDtypeStruct((N_GRAPHS, D), jnp.float32),
               jax.ShapeDtypeStruct((N_GRAPHS, D), jnp.float32)],
    scratch_shapes=[pltpu.VMEM((N_GRAPHS, D), jnp.float32),
                    pltpu.VMEM((N_GRAPHS, D), jnp.float32)],
)


def kernel(x, edge_index, batch, W1, b1, W2, b2, Wp, bp):
    src = edge_index[0].astype(jnp.int32)
    dst = edge_index[1].astype(jnp.int32)
    epad = E_PAD - N_EDGES
    dummy = N_NODES + (jnp.arange(epad, dtype=jnp.int32) % (NPAD - N_NODES))
    src_t = jnp.concatenate([src, dummy]).reshape(NW, N_CH, CHUNK)
    dst_t = jnp.concatenate([dst, dummy]).reshape(NW, N_CH, CHUNK)

    x_pad = jnp.zeros((NPAD, D), jnp.float32).at[:N_NODES].set(x)
    batch_pad = jnp.full((NPAD,), N_GRAPHS, jnp.int32).at[:N_NODES].set(
        batch.astype(jnp.int32)).reshape(N_RBLK, 1, RBLK)

    zeros_n = jnp.zeros((NPAD,), jnp.float32)
    zrows = jnp.zeros((RPT, D), jnp.float32)
    b1r = b1.reshape(1, D)
    b2r = b2.reshape(1, D)
    wp_pad = jnp.zeros((D, D), jnp.float32).at[:, :1].set(Wp)
    bp_pad = jnp.zeros((1, D), jnp.float32).at[0, 0].set(bp[0])

    deg_parts = _deg_hist(dst_t, zeros_n)
    v1 = _mm(x_pad, W1)
    y = _scale(deg_parts, v1)
    s_parts = _edge_scatter(y, src_t, dst_t, zrows)
    z = _layer(deg_parts, s_parts, y, b1r, W2)
    t_parts = _edge_scatter(z, src_t, dst_t, zrows)
    emb, out_full = _pool(deg_parts, t_parts, z, batch_pad, b2r, wp_pad, bp_pad)
    return (out_full[:, :1], emb)

# --- scband reference (transcript-rebuilt; emitter-appended) ---
"""Pipeline reference for scband-gnnmodel-30021821399452 (READ-ONLY COPY).

The authoritative reference and input builder live on the scoring server;
editing this copy changes nothing except your own understanding.
"""

import jax, jax.numpy as jnp
import numpy as np

N_NODES = 10000
N_EDGES = 320000
D_FEAT = 128
EMB_DIM = 128
OUT_DIM = 1
N_GRAPHS = 64


def setup_inputs(seed: int = 0) -> dict:
    key = jax.random.key(seed)
    k = [jax.random.fold_in(key, i) for i in range(10)]
    x = jax.random.normal(k[0], (N_NODES, D_FEAT), dtype=jnp.float32)
    edge_index = jax.random.randint(k[1], (2, N_EDGES), 0, N_NODES, dtype=jnp.int64)
    batch = jnp.sort(jax.random.randint(k[2], (N_NODES,), 0, N_GRAPHS, dtype=jnp.int64))
    s1 = 1.0 / np.sqrt(D_FEAT)
    s2 = 1.0 / np.sqrt(EMB_DIM)
    W1 = jax.random.uniform(k[3], (D_FEAT, EMB_DIM), dtype=jnp.float32, minval=-s1, maxval=s1)
    b1 = jnp.zeros((EMB_DIM,), dtype=jnp.float32)
    W2 = jax.random.uniform(k[4], (EMB_DIM, EMB_DIM), dtype=jnp.float32, minval=-s2, maxval=s2)
    b2 = jnp.zeros((EMB_DIM,), dtype=jnp.float32)
    Wp = jax.random.uniform(k[5], (EMB_DIM, OUT_DIM), dtype=jnp.float32, minval=-s2, maxval=s2)
    bp = jnp.zeros((OUT_DIM,), dtype=jnp.float32)
    return {"x": x, "edge_index": edge_index, "batch": batch, "W1": W1, "b1": b1, "W2": W2, "b2": b2, "Wp": Wp, "bp": bp}


def _gcn_conv(h, src, dst, W, b, n_nodes):
    h = h @ W
    ones = jnp.ones((src.shape[0],), dtype=h.dtype)
    deg = jax.ops.segment_sum(ones, dst, num_segments=n_nodes)
    dinv = jnp.where(deg > 0, 1.0 / jnp.sqrt(deg), 0.0)
    norm = dinv[src] * dinv[dst]
    msg = h[src] * norm[:, None]
    agg = jax.ops.segment_sum(msg, dst, num_segments=n_nodes)
    return agg + b


def reference(x, edge_index, batch, W1, b1, W2, b2, Wp, bp):
    n = x.shape[0]
    # add self loops (GCNConv default)
    loop = jnp.arange(n, dtype=edge_index.dtype)
    src = jnp.concatenate([edge_index[0], loop])
    dst = jnp.concatenate([edge_index[1], loop])
    # encoder: 2 GCN layers with ReLU between
    h = _gcn_conv(x, src, dst, W1, b1, n)
    h = jax.nn.relu(h)
    h = _gcn_conv(h, src, dst, W2, b2, n)
    # global mean pool per graph
    sums = jax.ops.segment_sum(h, batch, num_segments=N_GRAPHS)
    counts = jax.ops.segment_sum(jnp.ones((n,), dtype=h.dtype), batch, num_segments=N_GRAPHS)
    emb = sums / jnp.clip(counts, 1.0)[:, None]
    # linear predictor
    out = emb @ Wp + bp
    return (out, emb)

if __name__ == "__main__":
    import jax
    _d = setup_inputs()
    print(jax.jit(kernel)(*tuple(_d.values())))

</pallas_src>

<mosaic_0001>
#map = affine_map<(d0, d1) -> (0, 0)>
#map1 = affine_map<(d0, d1) -> (0, 0, 0)>
module attributes {stable_mosaic.version = 14 : i64} {
  func.func @_edge_scatter(%arg0: i32, %arg1: i32, %arg2: memref<10240x128xf32, #tpu.memory_space<hbm>>, %arg3: memref<32x80x128xi32, #tpu.memory_space<hbm>>, %arg4: memref<32x80x128xi32, #tpu.memory_space<hbm>>, %arg5: memref<640x128xf32, #tpu.memory_space<hbm>>, %arg6: memref<2x10240x128xf32, #tpu.memory_space<hbm>>, %arg7: memref<40x128xi32, #tpu.memory_space<vmem>>, %arg8: memref<40x128xi32, #tpu.memory_space<vmem>>, %arg9: memref<128x128xf32, #tpu.memory_space<vmem>>, %arg10: memref<128x128xf32, #tpu.memory_space<vmem>>, %arg11: memref<10240x128xf32, #tpu.memory_space<vmem_shared>>, %arg12: memref<!tpu.dma_semaphore, #tpu.memory_space<semaphore_mem>>, %arg13: memref<!tpu.dma_semaphore, #tpu.memory_space<semaphore_mem>>) attributes {dimension_semantics = [#tpu.dimension_semantics<core_parallel>, #tpu.dimension_semantics<subcore_parallel>], iteration_bounds = array<i64: 2, 16>, scalar_prefetch = 0 : i64, scratch_operands = 7 : i64, tpu.core_type = #tpu.core_type<sc_vector_subcore>, window_params = [{transform_indices = #map}, {transform_indices = #map1}, {transform_indices = #map1}, {transform_indices = #map}, {transform_indices = #map1}]} {
    %mul3A = arith.constant 16 : i32
    %mul3A_0 = arith.muli %arg0, %mul3A : i32
    %add3A = arith.addi %mul3A_0, %arg1 : i32
    %mul3A_1 = arith.constant 640 : i32
    %mul3A_2 = arith.muli %arg1, %mul3A_1 : i32
    "tpu.region"() ({
      %run_scoped3A = tpu.sem_alloc : memref<!tpu.dma_semaphore, #tpu.memory_space<semaphore_mem>>
      %dma_start3A_44 = arith.constant 0 : i32
      %dma_start3A_45 = tpu.memref_slice %arg11[%mul3A_2, %dma_start3A_44] : memref<10240x128xf32, #tpu.memory_space<vmem_shared>> -> memref<640x128xf32, #tpu.memory_space<vmem_shared>>
      tpu.enqueue_dma source(%arg5 : memref<640x128xf32, #tpu.memory_space<hbm>>) target(%dma_start3A_45 : memref<640x128xf32, #tpu.memory_space<vmem_shared>>) target_semaphore(%run_scoped3A : memref<!tpu.dma_semaphore, #tpu.memory_space<semaphore_mem>>)
      %dma_wait3A = arith.constant 0 : i32
      %dma_wait3A_46 = tpu.memref_slice %arg11[%mul3A_2, %dma_wait3A] : memref<10240x128xf32, #tpu.memory_space<vmem_shared>> -> memref<640x128xf32, #tpu.memory_space<vmem_shared>>
      tpu.wait_dma2 semaphore(%run_scoped3A : memref<!tpu.dma_semaphore, #tpu.memory_space<semaphore_mem>>) src(%arg5 : memref<640x128xf32, #tpu.memory_space<hbm>>) dst(%dma_wait3A_46 : memref<640x128xf32, #tpu.memory_space<vmem_shared>>)
      tpu.yield
    }) : () -> ()
    %barrier3A = arith.constant 0 : index
    tpu.barrier barrier_id(%barrier3A)
    "tpu.region"() ({
      %run_scoped3A = tpu.sem_alloc : memref<!tpu.dma_semaphore, #tpu.memory_space<semaphore_mem>>
      %dma_start3A_44 = arith.constant 0 : i32
      %dma_start3A_45 = arith.constant 0 : i32
      %dma_start3A_46 = tpu.memref_slice %arg3[%add3A, %dma_start3A_44, %dma_start3A_45] : memref<32x80x128xi32, #tpu.memory_space<hbm>> -> memref<1x40x128xi32, #tpu.memory_space<hbm>>
      %dma_start3A_47 = tpu.memref_squeeze %dma_start3A_46 : memref<1x40x128xi32, #tpu.memory_space<hbm>> -> memref<40x128xi32, #tpu.memory_space<hbm>>
      %dma_start3A_48 = arith.constant 0 : i32
      %dma_start3A_49 = arith.constant 0 : i32
      %dma_start3A_50 = tpu.memref_slice %arg3[%add3A, %dma_start3A_48, %dma_start3A_49] : memref<32x80x128xi32, #tpu.memory_space<hbm>> -> memref<1x40x128xi32, #tpu.memory_space<hbm>>
      %dma_start3A_51 = tpu.memref_squeeze %dma_start3A_50 : memref<1x40x128xi32, #tpu.memory_space<hbm>> -> memref<40x128xi32, #tpu.memory_space<hbm>>
      tpu.enqueue_dma source(%dma_start3A_51 : memref<40x128xi32, #tpu.memory_space<hbm>>) target(%arg7 : memref<40x128xi32, #tpu.memory_space<vmem>>) target_semaphore(%run_scoped3A : memref<!tpu.dma_semaphore, #tpu.memory_space<semaphore_mem>>)
      %dma_wait3A = arith.constant 0 : i32
      %dma_wait3A_52 = arith.constant 0 : i32
      %dma_wait3A_53 = tpu.memref_slice %arg3[%add3A, %dma_wait3A, %dma_wait3A_52] : memref<32x80x128xi32, #tpu.memory_space<hbm>> -> memref<1x40x128xi32, #tpu.memory_space<hbm>>
      %dma_wait3A_54 = tpu.memref_squeeze %dma_wait3A_53 : memref<1x40x128xi32, #tpu.memory_space<hbm>> -> memref<40x128xi32, #tpu.memory_space<hbm>>
      %dma_wait3A_55 = arith.constant 0 : i32
      %dma_wait3A_56 = arith.constant 0 : i32
      %dma_wait3A_57 = tpu.memref_slice %arg3[%add3A, %dma_wait3A_55, %dma_wait3A_56] : memref<32x80x128xi32, #tpu.memory_space<hbm>> -> memref<1x40x128xi32, #tpu.memory_space<hbm>>
      %dma_wait3A_58 = tpu.memref_squeeze %dma_wait3A_57 : memref<1x40x128xi32, #tpu.memory_space<hbm>> -> memref<40x128xi32, #tpu.memory_space<hbm>>
      tpu.wait_dma2 semaphore(%run_scoped3A : memref<!tpu.dma_semaphore, #tpu.memory_space<semaphore_mem>>) src(%dma_wait3A_58 : memref<40x128xi32, #tpu.memory_space<hbm>>) dst(%arg7 : memref<40x128xi32, #tpu.memory_space<vmem>>)
      tpu.yield
    }) : () -> ()
    "tpu.region"() ({
      %run_scoped3A = tpu.sem_alloc : memref<!tpu.dma_semaphore, #tpu.memory_space<semaphore_mem>>
      %dma_start3A_44 = arith.constant 0 : i32
      %dma_start3A_45 = arith.constant 0 : i32
      %dma_start3A_46 = tpu.memref_slice %arg4[%add3A, %dma_start3A_44, %dma_start3A_45] : memref<32x80x128xi32, #tpu.memory_space<hbm>> -> memref<1x40x128xi32, #tpu.memory_space<hbm>>
      %dma_start3A_47 = tpu.memref_squeeze %dma_start3A_46 : memref<1x40x128xi32, #tpu.memory_space<hbm>> -> memref<40x128xi32, #tpu.memory_space<hbm>>
      %dma_start3A_48 = arith.constant 0 : i32
      %dma_start3A_49 = arith.constant 0 : i32
      %dma_start3A_50 = tpu.memref_slice %arg4[%add3A, %dma_start3A_48, %dma_start3A_49] : memref<32x80x128xi32, #tpu.memory_space<hbm>> -> memref<1x40x128xi32, #tpu.memory_space<hbm>>
      %dma_start3A_51 = tpu.memref_squeeze %dma_start3A_50 : memref<1x40x128xi32, #tpu.memory_space<hbm>> -> memref<40x128xi32, #tpu.memory_space<hbm>>
      tpu.enqueue_dma source(%dma_start3A_51 : memref<40x128xi32, #tpu.memory_space<hbm>>) target(%arg8 : memref<40x128xi32, #tpu.memory_space<vmem>>) target_semaphore(%run_scoped3A : memref<!tpu.dma_semaphore, #tpu.memory_space<semaphore_mem>>)
      %dma_wait3A = arith.constant 0 : i32
      %dma_wait3A_52 = arith.constant 0 : i32
      %dma_wait3A_53 = tpu.memref_slice %arg4[%add3A, %dma_wait3A, %dma_wait3A_52] : memref<32x80x128xi32, #tpu.memory_space<hbm>> -> memref<1x40x128xi32, #tpu.memory_space<hbm>>
      %dma_wait3A_54 = tpu.memref_squeeze %dma_wait3A_53 : memref<1x40x128xi32, #tpu.memory_space<hbm>> -> memref<40x128xi32, #tpu.memory_space<hbm>>
      %dma_wait3A_55 = arith.constant 0 : i32
      %dma_wait3A_56 = arith.constant 0 : i32
      %dma_wait3A_57 = tpu.memref_slice %arg4[%add3A, %dma_wait3A_55, %dma_wait3A_56] : memref<32x80x128xi32, #tpu.memory_space<hbm>> -> memref<1x40x128xi32, #tpu.memory_space<hbm>>
      %dma_wait3A_58 = tpu.memref_squeeze %dma_wait3A_57 : memref<1x40x128xi32, #tpu.memory_space<hbm>> -> memref<40x128xi32, #tpu.memory_space<hbm>>
      tpu.wait_dma2 semaphore(%run_scoped3A : memref<!tpu.dma_semaphore, #tpu.memory_space<semaphore_mem>>) src(%dma_wait3A_58 : memref<40x128xi32, #tpu.memory_space<hbm>>) dst(%arg8 : memref<40x128xi32, #tpu.memory_space<vmem>>)
      tpu.yield
    }) : () -> ()
    %dma_start3A = arith.constant 0 : i32
    %dma_start3A_3 = arith.constant 0 : i32
    %dma_start3A_4 = tpu.memref_slice %arg7[%dma_start3A, %dma_start3A_3] : memref<40x128xi32, #tpu.memory_space<vmem>> -> memref<1x128xi32, #tpu.memory_space<vmem>>
    %dma_start3A_5 = tpu.memref_squeeze %dma_start3A_4 : memref<1x128xi32, #tpu.memory_space<vmem>> -> memref<128xi32, #tpu.memory_space<vmem>>
    %dma_start3A_6 = arith.constant 0 : i32
    %dma_start3A_7 = arith.constant 0 : i32
    %dma_start3A_8 = tpu.memref_slice %arg2[%dma_start3A_6, %dma_start3A_7] : memref<10240x128xf32, #tpu.memory_space<hbm>> -> memref<10240x128xf32, #tpu.memory_space<hbm>>
    tpu.enqueue_indirect_dma source(%dma_start3A_8 : memref<10240x128xf32, #tpu.memory_space<hbm>>) target(%arg9 : memref<128x128xf32, #tpu.memory_space<vmem>>) offsets(%dma_start3A_5 : memref<128xi32, #tpu.memory_space<vmem>>) semaphore(%arg12 : memref<!tpu.dma_semaphore, #tpu.memory_space<semaphore_mem>>)
    %dma_start3A_9 = arith.constant 1 : i32
    %dma_start3A_10 = arith.constant 0 : i32
    %dma_start3A_11 = tpu.memref_slice %arg7[%dma_start3A_9, %dma_start3A_10] : memref<40x128xi32, #tpu.memory_space<vmem>> -> memref<1x128xi32, #tpu.memory_space<vmem>>
    %dma_start3A_12 = tpu.memref_squeeze %dma_start3A_11 : memref<1x128xi32, #tpu.memory_space<vmem>> -> memref<128xi32, #tpu.memory_space<vmem>>
    %dma_start3A_13 = arith.constant 0 : i32
    %dma_start3A_14 = arith.constant 0 : i32
    %dma_start3A_15 = tpu.memref_slice %arg2[%dma_start3A_13, %dma_start3A_14] : memref<10240x128xf32, #tpu.memory_space<hbm>> -> memref<10240x128xf32, #tpu.memory_space<hbm>>
    tpu.enqueue_indirect_dma source(%dma_start3A_15 : memref<10240x128xf32, #tpu.memory_space<hbm>>) target(%arg10 : memref<128x128xf32, #tpu.memory_space<vmem>>) offsets(%dma_start3A_12 : memref<128xi32, #tpu.memory_space<vmem>>) semaphore(%arg13 : memref<!tpu.dma_semaphore, #tpu.memory_space<semaphore_mem>>)
    %scan3A = arith.constant 0 : i32
    %scan3A_16 = arith.constant 20 : i32
    %scan3A_17 = arith.addi %scan3A, %scan3A_16 : i32
    %scan3A_18 = arith.constant 1 : i32
    scf.for %scan3A_44 = %scan3A to %scan3A_17 step %scan3A_18  : i32 {
      %mul3A_45 = arith.constant 1 : i32
      %mul3A_46 = arith.muli %scan3A_44, %mul3A_45 : i32
      %add3A_47 = arith.constant 0 : i32
      %add3A_48 = arith.addi %add3A_47, %mul3A_46 : i32
      %mul3A_49 = arith.constant 2 : i32
      %mul3A_50 = arith.muli %add3A_48, %mul3A_49 : i32
      %add3A_51 = arith.constant 0 : i32
      %add3A_52 = arith.addi %mul3A_50, %add3A_51 : i32
      %dma_wait3A = arith.constant 0 : i32
      %dma_wait3A_53 = tpu.memref_slice %arg7[%add3A_52, %dma_wait3A] : memref<40x128xi32, #tpu.memory_space<vmem>> -> memref<1x128xi32, #tpu.memory_space<vmem>>
      %dma_wait3A_54 = tpu.memref_squeeze %dma_wait3A_53 : memref<1x128xi32, #tpu.memory_space<vmem>> -> memref<128xi32, #tpu.memory_space<vmem>>
      %dma_wait3A_55 = arith.constant 0 : i32
      %dma_wait3A_56 = arith.constant 0 : i32
      %dma_wait3A_57 = tpu.memref_slice %arg2[%dma_wait3A_55, %dma_wait3A_56] : memref<10240x128xf32, #tpu.memory_space<hbm>> -> memref<10240x128xf32, #tpu.memory_space<hbm>>
      tpu.wait_indirect_dma semaphore(%arg12 : memref<!tpu.dma_semaphore, #tpu.memory_space<semaphore_mem>>) src(%dma_wait3A_57 : memref<10240x128xf32, #tpu.memory_space<hbm>>) dst(%arg9 : memref<128x128xf32, #tpu.memory_space<vmem>>)
      "tpu.region"() ({
        %run_scoped3A = tpu.sem_alloc : memref<!tpu.dma_semaphore, #tpu.memory_space<semaphore_mem>>
        %dma_start3A_79 = arith.constant 0 : i32
        %dma_start3A_80 = tpu.memref_slice %arg8[%add3A_52, %dma_start3A_79] : memref<40x128xi32, #tpu.memory_space<vmem>> -> memref<1x128xi32, #tpu.memory_space<vmem>>
        %dma_start3A_81 = tpu.memref_squeeze %dma_start3A_80 : memref<1x128xi32, #tpu.memory_space<vmem>> -> memref<128xi32, #tpu.memory_space<vmem>>
        %dma_start3A_82 = arith.constant 0 : i32
        %dma_start3A_83 = arith.constant 0 : i32
        %dma_start3A_84 = tpu.memref_slice %arg11[%dma_start3A_82, %dma_start3A_83] : memref<10240x128xf32, #tpu.memory_space<vmem_shared>> -> memref<10240x128xf32, #tpu.memory_space<vmem_shared>>
        tpu.enqueue_indirect_dma source(%arg9 : memref<128x128xf32, #tpu.memory_space<vmem>>) target(%dma_start3A_84 : memref<10240x128xf32, #tpu.memory_space<vmem_shared>>) offsets(%dma_start3A_81 : memref<128xi32, #tpu.memory_space<vmem>>) semaphore(%run_scoped3A : memref<!tpu.dma_semaphore, #tpu.memory_space<semaphore_mem>>) {add = true}
        %dma_wait3A_85 = arith.constant 0 : i32
        %dma_wait3A_86 = tpu.memref_slice %arg8[%add3A_52, %dma_wait3A_85] : memref<40x128xi32, #tpu.memory_space<vmem>> -> memref<1x128xi32, #tpu.memory_space<vmem>>
        %dma_wait3A_87 = tpu.memref_squeeze %dma_wait3A_86 : memref<1x128xi32, #tpu.memory_space<vmem>> -> memref<128xi32, #tpu.memory_space<vmem>>
        %dma_wait3A_88 = arith.constant 0 : i32
        %dma_wait3A_89 = arith.constant 0 : i32
        %dma_wait3A_90 = tpu.memref_slice %arg11[%dma_wait3A_88, %dma_wait3A_89] : memref<10240x128xf32, #tpu.memory_space<vmem_shared>> -> memref<10240x128xf32, #tpu.memory_space<vmem_shared>>
        tpu.wait_indirect_dma semaphore(%run_scoped3A : memref<!tpu.dma_semaphore, #tpu.memory_space<semaphore_mem>>) src(%arg9 : memref<128x128xf32, #tpu.memory_space<vmem>>) dst(%dma_wait3A_90 : memref<10240x128xf32, #tpu.memory_space<vmem_shared>>)
        tpu.yield
      }) : () -> ()
      %add3A_58 = arith.constant 2 : i32
      %add3A_59 = arith.addi %add3A_52, %add3A_58 : i32
      %lt3A = arith.constant 40 : i32
      %lt3A_60 = arith.cmpi slt, %add3A_59, %lt3A : i32
      %convert_element_type3A = arith.extui %lt3A_60 : i1 to i32
      %cond3A = arith.constant 0 : i32
      %cond3A_61 = arith.cmpi ne, %convert_element_type3A, %cond3A : i32
      scf.if %cond3A_61 {
        %add3A_79 = arith.constant 2 : i32
        %add3A_80 = arith.addi %add3A_52, %add3A_79 : i32
        %dma_start3A_81 = arith.constant 0 : i32
        %dma_start3A_82 = tpu.memref_slice %arg7[%add3A_80, %dma_start3A_81] : memref<40x128xi32, #tpu.memory_space<vmem>> -> memref<1x128xi32, #tpu.memory_space<vmem>>
        %dma_start3A_83 = tpu.memref_squeeze %dma_start3A_82 : memref<1x128xi32, #tpu.memory_space<vmem>> -> memref<128xi32, #tpu.memory_space<vmem>>
        %dma_start3A_84 = arith.constant 0 : i32
        %dma_start3A_85 = arith.constant 0 : i32
        %dma_start3A_86 = tpu.memref_slice %arg2[%dma_start3A_84, %dma_start3A_85] : memref<10240x128xf32, #tpu.memory_space<hbm>> -> memref<10240x128xf32, #tpu.memory_space<hbm>>
        tpu.enqueue_indirect_dma source(%dma_start3A_86 : memref<10240x128xf32, #tpu.memory_space<hbm>>) target(%arg9 : memref<128x128xf32, #tpu.memory_space<vmem>>) offsets(%dma_start3A_83 : memref<128xi32, #tpu.memory_space<vmem>>) semaphore(%arg12 : memref<!tpu.dma_semaphore, #tpu.memory_space<semaphore_mem>>)
      } else {
      }
      %mul3A_62 = arith.constant 2 : i32
      %mul3A_63 = arith.muli %add3A_48, %mul3A_62 : i32
      %add3A_64 = arith.constant 1 : i32
      %add3A_65 = arith.addi %mul3A_63, %add3A_64 : i32
      %dma_wait3A_66 = arith.constant 0 : i32
      %dma_wait3A_67 = tpu.memref_slice %arg7[%add3A_65, %dma_wait3A_66] : memref<40x128xi32, #tpu.memory_space<vmem>> -> memref<1x128xi32, #tpu.memory_space<vmem>>
      %dma_wait3A_68 = tpu.memref_squeeze %dma_wait3A_67 : memref<1x128xi32, #tpu.memory_space<vmem>> -> memref<128xi32, #tpu.memory_space<vmem>>
      %dma_wait3A_69 = arith.constant 0 : i32
      %dma_wait3A_70 = arith.constant 0 : i32
      %dma_wait3A_71 = tpu.memref_slice %arg2[%dma_wait3A_69, %dma_wait3A_70] : memref<10240x128xf32, #tpu.memory_space<hbm>> -> memref<10240x128xf32, #tpu.memory_space<hbm>>
      tpu.wait_indirect_dma semaphore(%arg13 : memref<!tpu.dma_semaphore, #tpu.memory_space<semaphore_mem>>) src(%dma_wait3A_71 : memref<10240x128xf32, #tpu.memory_space<hbm>>) dst(%arg10 : memref<128x128xf32, #tpu.memory_space<vmem>>)
      "tpu.region"() ({
        %run_scoped3A = tpu.sem_alloc : memref<!tpu.dma_semaphore, #tpu.memory_space<semaphore_mem>>
        %dma_start3A_79 = arith.constant 0 : i32
        %dma_start3A_80 = tpu.memref_slice %arg8[%add3A_65, %dma_start3A_79] : memref<40x128xi32, #tpu.memory_space<vmem>> -> memref<1x128xi32, #tpu.memory_space<vmem>>
        %dma_start3A_81 = tpu.memref_squeeze %dma_start3A_80 : memref<1x128xi32, #tpu.memory_space<vmem>> -> memref<128xi32, #tpu.memory_space<vmem>>
        %dma_start3A_82 = arith.constant 0 : i32
        %dma_start3A_83 = arith.constant 0 : i32
        %dma_start3A_84 = tpu.memref_slice %arg11[%dma_start3A_82, %dma_start3A_83] : memref<10240x128xf32, #tpu.memory_space<vmem_shared>> -> memref<10240x128xf32, #tpu.memory_space<vmem_shared>>
        tpu.enqueue_indirect_dma source(%arg10 : memref<128x128xf32, #tpu.memory_space<vmem>>) target(%dma_start3A_84 : memref<10240x128xf32, #tpu.memory_space<vmem_shared>>) offsets(%dma_start3A_81 : memref<128xi32, #tpu.memory_space<vmem>>) semaphore(%run_scoped3A : memref<!tpu.dma_semaphore, #tpu.memory_space<semaphore_mem>>) {add = true}
        %dma_wait3A_85 = arith.constant 0 : i32
        %dma_wait3A_86 = tpu.memref_slice %arg8[%add3A_65, %dma_wait3A_85] : memref<40x128xi32, #tpu.memory_space<vmem>> -> memref<1x128xi32, #tpu.memory_space<vmem>>
        %dma_wait3A_87 = tpu.memref_squeeze %dma_wait3A_86 : memref<1x128xi32, #tpu.memory_space<vmem>> -> memref<128xi32, #tpu.memory_space<vmem>>
        %dma_wait3A_88 = arith.constant 0 : i32
        %dma_wait3A_89 = arith.constant 0 : i32
        %dma_wait3A_90 = tpu.memref_slice %arg11[%dma_wait3A_88, %dma_wait3A_89] : memref<10240x128xf32, #tpu.memory_space<vmem_shared>> -> memref<10240x128xf32, #tpu.memory_space<vmem_shared>>
        tpu.wait_indirect_dma semaphore(%run_scoped3A : memref<!tpu.dma_semaphore, #tpu.memory_space<semaphore_mem>>) src(%arg10 : memref<128x128xf32, #tpu.memory_space<vmem>>) dst(%dma_wait3A_90 : memref<10240x128xf32, #tpu.memory_space<vmem_shared>>)
        tpu.yield
      }) : () -> ()
      %add3A_72 = arith.constant 2 : i32
      %add3A_73 = arith.addi %add3A_65, %add3A_72 : i32
      %lt3A_74 = arith.constant 40 : i32
      %lt3A_75 = arith.cmpi slt, %add3A_73, %lt3A_74 : i32
      %convert_element_type3A_76 = arith.extui %lt3A_75 : i1 to i32
      %cond3A_77 = arith.constant 0 : i32
      %cond3A_78 = arith.cmpi ne, %convert_element_type3A_76, %cond3A_77 : i32
      scf.if %cond3A_78 {
        %add3A_79 = arith.constant 2 : i32
        %add3A_80 = arith.addi %add3A_65, %add3A_79 : i32
        %dma_start3A_81 = arith.constant 0 : i32
        %dma_start3A_82 = tpu.memref_slice %arg7[%add3A_80, %dma_start3A_81] : memref<40x128xi32, #tpu.memory_space<vmem>> -> memref<1x128xi32, #tpu.memory_space<vmem>>
        %dma_start3A_83 = tpu.memref_squeeze %dma_start3A_82 : memref<1x128xi32, #tpu.memory_space<vmem>> -> memref<128xi32, #tpu.memory_space<vmem>>
        %dma_start3A_84 = arith.constant 0 : i32
        %dma_start3A_85 = arith.constant 0 : i32
        %dma_start3A_86 = tpu.memref_slice %arg2[%dma_start3A_84, %dma_start3A_85] : memref<10240x128xf32, #tpu.memory_space<hbm>> -> memref<10240x128xf32, #tpu.memory_space<hbm>>
        tpu.enqueue_indirect_dma source(%dma_start3A_86 : memref<10240x128xf32, #tpu.memory_space<hbm>>) target(%arg10 : memref<128x128xf32, #tpu.memory_space<vmem>>) offsets(%dma_start3A_83 : memref<128xi32, #tpu.memory_space<vmem>>) semaphore(%arg13 : memref<!tpu.dma_semaphore, #tpu.memory_space<semaphore_mem>>)
      } else {
      }
    }
    %scan3A_19 = arith.constant 20 : i32
    "tpu.region"() ({
      %run_scoped3A = tpu.sem_alloc : memref<!tpu.dma_semaphore, #tpu.memory_space<semaphore_mem>>
      %dma_start3A_44 = arith.constant 40 : i32
      %dma_start3A_45 = arith.constant 0 : i32
      %dma_start3A_46 = tpu.memref_slice %arg3[%add3A, %dma_start3A_44, %dma_start3A_45] : memref<32x80x128xi32, #tpu.memory_space<hbm>> -> memref<1x40x128xi32, #tpu.memory_space<hbm>>
      %dma_start3A_47 = tpu.memref_squeeze %dma_start3A_46 : memref<1x40x128xi32, #tpu.memory_space<hbm>> -> memref<40x128xi32, #tpu.memory_space<hbm>>
      %dma_start3A_48 = arith.constant 40 : i32
      %dma_start3A_49 = arith.constant 0 : i32
      %dma_start3A_50 = tpu.memref_slice %arg3[%add3A, %dma_start3A_48, %dma_start3A_49] : memref<32x80x128xi32, #tpu.memory_space<hbm>> -> memref<1x40x128xi32, #tpu.memory_space<hbm>>
      %dma_start3A_51 = tpu.memref_squeeze %dma_start3A_50 : memref<1x40x128xi32, #tpu.memory_space<hbm>> -> memref<40x128xi32, #tpu.memory_space<hbm>>
      tpu.enqueue_dma source(%dma_start3A_51 : memref<40x128xi32, #tpu.memory_space<hbm>>) target(%arg7 : memref<40x128xi32, #tpu.memory_space<vmem>>) target_semaphore(%run_scoped3A : memref<!tpu.dma_semaphore, #tpu.memory_space<semaphore_mem>>)
      %dma_wait3A = arith.constant 40 : i32
      %dma_wait3A_52 = arith.constant 0 : i32
      %dma_wait3A_53 = tpu.memref_slice %arg3[%add3A, %dma_wait3A, %dma_wait3A_52] : memref<32x80x128xi32, #tpu.memory_space<hbm>> -> memref<1x40x128xi32, #tpu.memory_space<hbm>>
      %dma_wait3A_54 = tpu.memref_squeeze %dma_wait3A_53 : memref<1x40x128xi32, #tpu.memory_space<hbm>> -> memref<40x128xi32, #tpu.memory_space<hbm>>
      %dma_wait3A_55 = arith.constant 40 : i32
      %dma_wait3A_56 = arith.constant 0 : i32
      %dma_wait3A_57 = tpu.memref_slice %arg3[%add3A, %dma_wait3A_55, %dma_wait3A_56] : memref<32x80x128xi32, #tpu.memory_space<hbm>> -> memref<1x40x128xi32, #tpu.memory_space<hbm>>
      %dma_wait3A_58 = tpu.memref_squeeze %dma_wait3A_57 : memref<1x40x128xi32, #tpu.memory_space<hbm>> -> memref<40x128xi32, #tpu.memory_space<hbm>>
      tpu.wait_dma2 semaphore(%run_scoped3A : memref<!tpu.dma_semaphore, #tpu.memory_space<semaphore_mem>>) src(%dma_wait3A_58 : memref<40x128xi32, #tpu.memory_space<hbm>>) dst(%arg7 : memref<40x128xi32, #tpu.memory_space<vmem>>)
      tpu.yield
    }) : () -> ()
    "tpu.region"() ({
      %run_scoped3A = tpu.sem_alloc : memref<!tpu.dma_semaphore, #tpu.memory_space<semaphore_mem>>
      %dma_start3A_44 = arith.constant 40 : i32
      %dma_start3A_45 = arith.constant 0 : i32
      %dma_start3A_46 = tpu.memref_slice %arg4[%add3A, %dma_start3A_44, %dma_start3A_45] : memref<32x80x128xi32, #tpu.memory_space<hbm>> -> memref<1x40x128xi32, #tpu.memory_space<hbm>>
      %dma_start3A_47 = tpu.memref_squeeze %dma_start3A_46 : memref<1x40x128xi32, #tpu.memory_space<hbm>> -> memref<40x128xi32, #tpu.memory_space<hbm>>
      %dma_start3A_48 = arith.constant 40 : i32
      %dma_start3A_49 = arith.constant 0 : i32
      %dma_start3A_50 = tpu.memref_slice %arg4[%add3A, %dma_start3A_48, %dma_start3A_49] : memref<32x80x128xi32, #tpu.memory_space<hbm>> -> memref<1x40x128xi32, #tpu.memory_space<hbm>>
      %dma_start3A_51 = tpu.memref_squeeze %dma_start3A_50 : memref<1x40x128xi32, #tpu.memory_space<hbm>> -> memref<40x128xi32, #tpu.memory_space<hbm>>
      tpu.enqueue_dma source(%dma_start3A_51 : memref<40x128xi32, #tpu.memory_space<hbm>>) target(%arg8 : memref<40x128xi32, #tpu.memory_space<vmem>>) target_semaphore(%run_scoped3A : memref<!tpu.dma_semaphore, #tpu.memory_space<semaphore_mem>>)
      %dma_wait3A = arith.constant 40 : i32
      %dma_wait3A_52 = arith.constant 0 : i32
      %dma_wait3A_53 = tpu.memref_slice %arg4[%add3A, %dma_wait3A, %dma_wait3A_52] : memref<32x80x128xi32, #tpu.memory_space<hbm>> -> memref<1x40x128xi32, #tpu.memory_space<hbm>>
      %dma_wait3A_54 = tpu.memref_squeeze %dma_wait3A_53 : memref<1x40x128xi32, #tpu.memory_space<hbm>> -> memref<40x128xi32, #tpu.memory_space<hbm>>
      %dma_wait3A_55 = arith.constant 40 : i32
      %dma_wait3A_56 = arith.constant 0 : i32
      %dma_wait3A_57 = tpu.memref_slice %arg4[%add3A, %dma_wait3A_55, %dma_wait3A_56] : memref<32x80x128xi32, #tpu.memory_space<hbm>> -> memref<1x40x128xi32, #tpu.memory_space<hbm>>
      %dma_wait3A_58 = tpu.memref_squeeze %dma_wait3A_57 : memref<1x40x128xi32, #tpu.memory_space<hbm>> -> memref<40x128xi32, #tpu.memory_space<hbm>>
      tpu.wait_dma2 semaphore(%run_scoped3A : memref<!tpu.dma_semaphore, #tpu.memory_space<semaphore_mem>>) src(%dma_wait3A_58 : memref<40x128xi32, #tpu.memory_space<hbm>>) dst(%arg8 : memref<40x128xi32, #tpu.memory_space<vmem>>)
      tpu.yield
    }) : () -> ()
    %dma_start3A_20 = arith.constant 0 : i32
    %dma_start3A_21 = arith.constant 0 : i32
    %dma_start3A_22 = tpu.memref_slice %arg7[%dma_start3A_20, %dma_start3A_21] : memref<40x128xi32, #tpu.memory_space<vmem>> -> memref<1x128xi32, #tpu.memory_space<vmem>>
    %dma_start3A_23 = tpu.memref_squeeze %dma_start3A_22 : memref<1x128xi32, #tpu.memory_space<vmem>> -> memref<128xi32, #tpu.memory_space<vmem>>
    %dma_start3A_24 = arith.constant 0 : i32
    %dma_start3A_25 = arith.constant 0 : i32
    %dma_start3A_26 = tpu.memref_slice %arg2[%dma_start3A_24, %dma_start3A_25] : memref<10240x128xf32, #tpu.memory_space<hbm>> -> memref<10240x128xf32, #tpu.memory_space<hbm>>
    tpu.enqueue_indirect_dma source(%dma_start3A_26 : memref<10240x128xf32, #tpu.memory_space<hbm>>) target(%arg9 : memref<128x128xf32, #tpu.memory_space<vmem>>) offsets(%dma_start3A_23 : memref<128xi32, #tpu.memory_space<vmem>>) semaphore(%arg12 : memref<!tpu.dma_semaphore, #tpu.memory_space<semaphore_mem>>)
    %dma_start3A_27 = arith.constant 1 : i32
    %dma_start3A_28 = arith.constant 0 : i32
    %dma_start3A_29 = tpu.memref_slice %arg7[%dma_start3A_27, %dma_start3A_28] : memref<40x128xi32, #tpu.memory_space<vmem>> -> memref<1x128xi32, #tpu.memory_space<vmem>>
    %dma_start3A_30 = tpu.memref_squeeze %dma_start3A_29 : memref<1x128xi32, #tpu.memory_space<vmem>> -> memref<128xi32, #tpu.memory_space<vmem>>
    %dma_start3A_31 = arith.constant 0 : i32
    %dma_start3A_32 = arith.constant 0 : i32
    %dma_start3A_33 = tpu.memref_slice %arg2[%dma_start3A_31, %dma_start3A_32] : memref<10240x128xf32, #tpu.memory_space<hbm>> -> memref<10240x128xf32, #tpu.memory_space<hbm>>
    tpu.enqueue_indirect_dma source(%dma_start3A_33 : memref<10240x128xf32, #tpu.memory_space<hbm>>) target(%arg10 : memref<128x128xf32, #tpu.memory_space<vmem>>) offsets(%dma_start3A_30 : memref<128xi32, #tpu.memory_space<vmem>>) semaphore(%arg13 : memref<!tpu.dma_semaphore, #tpu.memory_space<semaphore_mem>>)
    %scan3A_34 = arith.constant 0 : i32
    %scan3A_35 = arith.constant 20 : i32
    %scan3A_36 = arith.addi %scan3A_34, %scan3A_35 : i32
    %scan3A_37 = arith.constant 1 : i32
    scf.for %scan3A_44 = %scan3A_34 to %scan3A_36 step %scan3A_37  : i32 {
      %mul3A_45 = arith.constant 1 : i32
      %mul3A_46 = arith.muli %scan3A_44, %mul3A_45 : i32
      %add3A_47 = arith.constant 0 : i32
      %add3A_48 = arith.addi %add3A_47, %mul3A_46 : i32
      %mul3A_49 = arith.constant 2 : i32
      %mul3A_50 = arith.muli %add3A_48, %mul3A_49 : i32
      %add3A_51 = arith.constant 0 : i32
      %add3A_52 = arith.addi %mul3A_50, %add3A_51 : i32
      %dma_wait3A = arith.constant 0 : i32
      %dma_wait3A_53 = tpu.memref_slice %arg7[%add3A_52, %dma_wait3A] : memref<40x128xi32, #tpu.memory_space<vmem>> -> memref<1x128xi32, #tpu.memory_space<vmem>>
      %dma_wait3A_54 = tpu.memref_squeeze %dma_wait3A_53 : memref<1x128xi32, #tpu.memory_space<vmem>> -> memref<128xi32, #tpu.memory_space<vmem>>
      %dma_wait3A_55 = arith.constant 0 : i32
      %dma_wait3A_56 = arith.constant 0 : i32
      %dma_wait3A_57 = tpu.memref_slice %arg2[%dma_wait3A_55, %dma_wait3A_56] : memref<10240x128xf32, #tpu.memory_space<hbm>> -> memref<10240x128xf32, #tpu.memory_space<hbm>>
      tpu.wait_indirect_dma semaphore(%arg12 : memref<!tpu.dma_semaphore, #tpu.memory_space<semaphore_mem>>) src(%dma_wait3A_57 : memref<10240x128xf32, #tpu.memory_space<hbm>>) dst(%arg9 : memref<128x128xf32, #tpu.memory_space<vmem>>)
      "tpu.region"() ({
        %run_scoped3A = tpu.sem_alloc : memref<!tpu.dma_semaphore, #tpu.memory_space<semaphore_mem>>
        %dma_start3A_79 = arith.constant 0 : i32
        %dma_start3A_80 = tpu.memref_slice %arg8[%add3A_52, %dma_start3A_79] : memref<40x128xi32, #tpu.memory_space<vmem>> -> memref<1x128xi32, #tpu.memory_space<vmem>>
        %dma_start3A_81 = tpu.memref_squeeze %dma_start3A_80 : memref<1x128xi32, #tpu.memory_space<vmem>> -> memref<128xi32, #tpu.memory_space<vmem>>
        %dma_start3A_82 = arith.constant 0 : i32
        %dma_start3A_83 = arith.constant 0 : i32
        %dma_start3A_84 = tpu.memref_slice %arg11[%dma_start3A_82, %dma_start3A_83] : memref<10240x128xf32, #tpu.memory_space<vmem_shared>> -> memref<10240x128xf32, #tpu.memory_space<vmem_shared>>
        tpu.enqueue_indirect_dma source(%arg9 : memref<128x128xf32, #tpu.memory_space<vmem>>) target(%dma_start3A_84 : memref<10240x128xf32, #tpu.memory_space<vmem_shared>>) offsets(%dma_start3A_81 : memref<128xi32, #tpu.memory_space<vmem>>) semaphore(%run_scoped3A : memref<!tpu.dma_semaphore, #tpu.memory_space<semaphore_mem>>) {add = true}
        %dma_wait3A_85 = arith.constant 0 : i32
        %dma_wait3A_86 = tpu.memref_slice %arg8[%add3A_52, %dma_wait3A_85] : memref<40x128xi32, #tpu.memory_space<vmem>> -> memref<1x128xi32, #tpu.memory_space<vmem>>
        %dma_wait3A_87 = tpu.memref_squeeze %dma_wait3A_86 : memref<1x128xi32, #tpu.memory_space<vmem>> -> memref<128xi32, #tpu.memory_space<vmem>>
        %dma_wait3A_88 = arith.constant 0 : i32
        %dma_wait3A_89 = arith.constant 0 : i32
        %dma_wait3A_90 = tpu.memref_slice %arg11[%dma_wait3A_88, %dma_wait3A_89] : memref<10240x128xf32, #tpu.memory_space<vmem_shared>> -> memref<10240x128xf32, #tpu.memory_space<vmem_shared>>
        tpu.wait_indirect_dma semaphore(%run_scoped3A : memref<!tpu.dma_semaphore, #tpu.memory_space<semaphore_mem>>) src(%arg9 : memref<128x128xf32, #tpu.memory_space<vmem>>) dst(%dma_wait3A_90 : memref<10240x128xf32, #tpu.memory_space<vmem_shared>>)
        tpu.yield
      }) : () -> ()
      %add3A_58 = arith.constant 2 : i32
      %add3A_59 = arith.addi %add3A_52, %add3A_58 : i32
      %lt3A = arith.constant 40 : i32
      %lt3A_60 = arith.cmpi slt, %add3A_59, %lt3A : i32
      %convert_element_type3A = arith.extui %lt3A_60 : i1 to i32
      %cond3A = arith.constant 0 : i32
      %cond3A_61 = arith.cmpi ne, %convert_element_type3A, %cond3A : i32
      scf.if %cond3A_61 {
        %add3A_79 = arith.constant 2 : i32
        %add3A_80 = arith.addi %add3A_52, %add3A_79 : i32
        %dma_start3A_81 = arith.constant 0 : i32
        %dma_start3A_82 = tpu.memref_slice %arg7[%add3A_80, %dma_start3A_81] : memref<40x128xi32, #tpu.memory_space<vmem>> -> memref<1x128xi32, #tpu.memory_space<vmem>>
        %dma_start3A_83 = tpu.memref_squeeze %dma_start3A_82 : memref<1x128xi32, #tpu.memory_space<vmem>> -> memref<128xi32, #tpu.memory_space<vmem>>
        %dma_start3A_84 = arith.constant 0 : i32
        %dma_start3A_85 = arith.constant 0 : i32
        %dma_start3A_86 = tpu.memref_slice %arg2[%dma_start3A_84, %dma_start3A_85] : memref<10240x128xf32, #tpu.memory_space<hbm>> -> memref<10240x128xf32, #tpu.memory_space<hbm>>
        tpu.enqueue_indirect_dma source(%dma_start3A_86 : memref<10240x128xf32, #tpu.memory_space<hbm>>) target(%arg9 : memref<128x128xf32, #tpu.memory_space<vmem>>) offsets(%dma_start3A_83 : memref<128xi32, #tpu.memory_space<vmem>>) semaphore(%arg12 : memref<!tpu.dma_semaphore, #tpu.memory_space<semaphore_mem>>)
      } else {
      }
      %mul3A_62 = arith.constant 2 : i32
      %mul3A_63 = arith.muli %add3A_48, %mul3A_62 : i32
      %add3A_64 = arith.constant 1 : i32
      %add3A_65 = arith.addi %mul3A_63, %add3A_64 : i32
      %dma_wait3A_66 = arith.constant 0 : i32
      %dma_wait3A_67 = tpu.memref_slice %arg7[%add3A_65, %dma_wait3A_66] : memref<40x128xi32, #tpu.memory_space<vmem>> -> memref<1x128xi32, #tpu.memory_space<vmem>>
      %dma_wait3A_68 = tpu.memref_squeeze %dma_wait3A_67 : memref<1x128xi32, #tpu.memory_space<vmem>> -> memref<128xi32, #tpu.memory_space<vmem>>
      %dma_wait3A_69 = arith.constant 0 : i32
      %dma_wait3A_70 = arith.constant 0 : i32
      %dma_wait3A_71 = tpu.memref_slice %arg2[%dma_wait3A_69, %dma_wait3A_70] : memref<10240x128xf32, #tpu.memory_space<hbm>> -> memref<10240x128xf32, #tpu.memory_space<hbm>>
      tpu.wait_indirect_dma semaphore(%arg13 : memref<!tpu.dma_semaphore, #tpu.memory_space<semaphore_mem>>) src(%dma_wait3A_71 : memref<10240x128xf32, #tpu.memory_space<hbm>>) dst(%arg10 : memref<128x128xf32, #tpu.memory_space<vmem>>)
      "tpu.region"() ({
        %run_scoped3A = tpu.sem_alloc : memref<!tpu.dma_semaphore, #tpu.memory_space<semaphore_mem>>
        %dma_start3A_79 = arith.constant 0 : i32
        %dma_start3A_80 = tpu.memref_slice %arg8[%add3A_65, %dma_start3A_79] : memref<40x128xi32, #tpu.memory_space<vmem>> -> memref<1x128xi32, #tpu.memory_space<vmem>>
        %dma_start3A_81 = tpu.memref_squeeze %dma_start3A_80 : memref<1x128xi32, #tpu.memory_space<vmem>> -> memref<128xi32, #tpu.memory_space<vmem>>
        %dma_start3A_82 = arith.constant 0 : i32
        %dma_start3A_83 = arith.constant 0 : i32
        %dma_start3A_84 = tpu.memref_slice %arg11[%dma_start3A_82, %dma_start3A_83] : memref<10240x128xf32, #tpu.memory_space<vmem_shared>> -> memref<10240x128xf32, #tpu.memory_space<vmem_shared>>
        tpu.enqueue_indirect_dma source(%arg10 : memref<128x128xf32, #tpu.memory_space<vmem>>) target(%dma_start3A_84 : memref<10240x128xf32, #tpu.memory_space<vmem_shared>>) offsets(%dma_start3A_81 : memref<128xi32, #tpu.memory_space<vmem>>) semaphore(%run_scoped3A : memref<!tpu.dma_semaphore, #tpu.memory_space<semaphore_mem>>) {add = true}
        %dma_wait3A_85 = arith.constant 0 : i32
        %dma_wait3A_86 = tpu.memref_slice %arg8[%add3A_65, %dma_wait3A_85] : memref<40x128xi32, #tpu.memory_space<vmem>> -> memref<1x128xi32, #tpu.memory_space<vmem>>
        %dma_wait3A_87 = tpu.memref_squeeze %dma_wait3A_86 : memref<1x128xi32, #tpu.memory_space<vmem>> -> memref<128xi32, #tpu.memory_space<vmem>>
        %dma_wait3A_88 = arith.constant 0 : i32
        %dma_wait3A_89 = arith.constant 0 : i32
        %dma_wait3A_90 = tpu.memref_slice %arg11[%dma_wait3A_88, %dma_wait3A_89] : memref<10240x128xf32, #tpu.memory_space<vmem_shared>> -> memref<10240x128xf32, #tpu.memory_space<vmem_shared>>
        tpu.wait_indirect_dma semaphore(%run_scoped3A : memref<!tpu.dma_semaphore, #tpu.memory_space<semaphore_mem>>) src(%arg10 : memref<128x128xf32, #tpu.memory_space<vmem>>) dst(%dma_wait3A_90 : memref<10240x128xf32, #tpu.memory_space<vmem_shared>>)
        tpu.yield
      }) : () -> ()
      %add3A_72 = arith.constant 2 : i32
      %add3A_73 = arith.addi %add3A_65, %add3A_72 : i32
      %lt3A_74 = arith.constant 40 : i32
      %lt3A_75 = arith.cmpi slt, %add3A_73, %lt3A_74 : i32
      %convert_element_type3A_76 = arith.extui %lt3A_75 : i1 to i32
      %cond3A_77 = arith.constant 0 : i32
      %cond3A_78 = arith.cmpi ne, %convert_element_type3A_76, %cond3A_77 : i32
      scf.if %cond3A_78 {
        %add3A_79 = arith.constant 2 : i32
        %add3A_80 = arith.addi %add3A_65, %add3A_79 : i32
        %dma_start3A_81 = arith.constant 0 : i32
        %dma_start3A_82 = tpu.memref_slice %arg7[%add3A_80, %dma_start3A_81] : memref<40x128xi32, #tpu.memory_space<vmem>> -> memref<1x128xi32, #tpu.memory_space<vmem>>
        %dma_start3A_83 = tpu.memref_squeeze %dma_start3A_82 : memref<1x128xi32, #tpu.memory_space<vmem>> -> memref<128xi32, #tpu.memory_space<vmem>>
        %dma_start3A_84 = arith.constant 0 : i32
        %dma_start3A_85 = arith.constant 0 : i32
        %dma_start3A_86 = tpu.memref_slice %arg2[%dma_start3A_84, %dma_start3A_85] : memref<10240x128xf32, #tpu.memory_space<hbm>> -> memref<10240x128xf32, #tpu.memory_space<hbm>>
        tpu.enqueue_indirect_dma source(%dma_start3A_86 : memref<10240x128xf32, #tpu.memory_space<hbm>>) target(%arg10 : memref<128x128xf32, #tpu.memory_space<vmem>>) offsets(%dma_start3A_83 : memref<128xi32, #tpu.memory_space<vmem>>) semaphore(%arg13 : memref<!tpu.dma_semaphore, #tpu.memory_space<semaphore_mem>>)
      } else {
      }
    }
    %scan3A_38 = arith.constant 20 : i32
    %barrier3A_39 = arith.constant 0 : index
    tpu.barrier barrier_id(%barrier3A_39)
    %mul3A_40 = arith.constant 640 : i32
    %mul3A_41 = arith.muli %arg1, %mul3A_40 : i32
    %mul3A_42 = arith.constant 640 : i32
    %mul3A_43 = arith.muli %arg1, %mul3A_42 : i32
    "tpu.region"() ({
      %run_scoped3A = tpu.sem_alloc : memref<!tpu.dma_semaphore, #tpu.memory_space<semaphore_mem>>
      %dma_start3A_44 = arith.constant 0 : i32
      %dma_start3A_45 = tpu.memref_slice %arg6[%arg0, %mul3A_43, %dma_start3A_44] : memref<2x10240x128xf32, #tpu.memory_space<hbm>> -> memref<1x640x128xf32, #tpu.memory_space<hbm>>
      %dma_start3A_46 = tpu.memref_squeeze %dma_start3A_45 : memref<1x640x128xf32, #tpu.memory_space<hbm>> -> memref<640x128xf32, #tpu.memory_space<hbm>>
      %dma_start3A_47 = arith.constant 0 : i32
      %dma_start3A_48 = tpu.memref_slice %arg11[%mul3A_41, %dma_start3A_47] : memref<10240x128xf32, #tpu.memory_space<vmem_shared>> -> memref<640x128xf32, #tpu.memory_space<vmem_shared>>
      tpu.enqueue_dma source(%dma_start3A_48 : memref<640x128xf32, #tpu.memory_space<vmem_shared>>) target(%dma_start3A_46 : memref<640x128xf32, #tpu.memory_space<hbm>>) target_semaphore(%run_scoped3A : memref<!tpu.dma_semaphore, #tpu.memory_space<semaphore_mem>>)
      %dma_wait3A = arith.constant 0 : i32
      %dma_wait3A_49 = tpu.memref_slice %arg6[%arg0, %mul3A_43, %dma_wait3A] : memref<2x10240x128xf32, #tpu.memory_space<hbm>> -> memref<1x640x128xf32, #tpu.memory_space<hbm>>
      %dma_wait3A_50 = tpu.memref_squeeze %dma_wait3A_49 : memref<1x640x128xf32, #tpu.memory_space<hbm>> -> memref<640x128xf32, #tpu.memory_space<hbm>>
      %dma_wait3A_51 = arith.constant 0 : i32
      %dma_wait3A_52 = tpu.memref_slice %arg11[%mul3A_41, %dma_wait3A_51] : memref<10240x128xf32, #tpu.memory_space<vmem_shared>> -> memref<640x128xf32, #tpu.memory_space<vmem_shared>>
      tpu.wait_dma2 semaphore(%run_scoped3A : memref<!tpu.dma_semaphore, #tpu.memory_space<semaphore_mem>>) src(%dma_wait3A_52 : memref<640x128xf32, #tpu.memory_space<vmem_shared>>) dst(%dma_wait3A_50 : memref<640x128xf32, #tpu.memory_space<hbm>>)
      tpu.yield
    }) : () -> ()
    return
  }
}

#map = affine_map<(d0, d1) -> (0, 0, 0)>
#map1 = affine_map<(d0, d1) -> (0)>
#map2 = affine_map<(d0, d1) -> (0, 0)>
module attributes {stable_mosaic.version = 14 : i64} {
  func.func @_deg_hist(%arg0: i32, %arg1: i32, %arg2: memref<32x80x128xi32, #tpu.memory_space<hbm>>, %arg3: memref<10240xf32, #tpu.memory_space<hbm>>, %arg4: memref<32x10240xf32, #tpu.memory_space<hbm>>, %arg5: memref<80x128xi32, #tpu.memory_space<vmem>>, %arg6: memref<10240xf32, #tpu.memory_space<vmem>>) attributes {dimension_semantics = [#tpu.dimension_semantics<core_parallel>, #tpu.dimension_semantics<subcore_parallel>], iteration_bounds = array<i64: 2, 16>, scalar_prefetch = 0 : i64, scratch_operands = 2 : i64, tpu.core_type = #tpu.core_type<sc_vector_subcore>, window_params = [{transform_indices = #map}, {transform_indices = #map1}, {transform_indices = #map2}]} {
    %mul3A = arith.constant 16 : i32
    %mul3A_0 = arith.muli %arg0, %mul3A : i32
    %add3A = arith.addi %mul3A_0, %arg1 : i32
    "tpu.region"() ({
      %run_scoped3A = tpu.sem_alloc : memref<!tpu.dma_semaphore, #tpu.memory_space<semaphore_mem>>
      tpu.enqueue_dma source(%arg3 : memref<10240xf32, #tpu.memory_space<hbm>>) target(%arg6 : memref<10240xf32, #tpu.memory_space<vmem>>) target_semaphore(%run_scoped3A : memref<!tpu.dma_semaphore, #tpu.memory_space<semaphore_mem>>)
      tpu.wait_dma2 semaphore(%run_scoped3A : memref<!tpu.dma_semaphore, #tpu.memory_space<semaphore_mem>>) src(%arg3 : memref<10240xf32, #tpu.memory_space<hbm>>) dst(%arg6 : memref<10240xf32, #tpu.memory_space<vmem>>)
      tpu.yield
    }) : () -> ()
    "tpu.region"() ({
      %run_scoped3A = tpu.sem_alloc : memref<!tpu.dma_semaphore, #tpu.memory_space<semaphore_mem>>
      %dma_start3A = arith.constant 0 : i32
      %dma_start3A_6 = arith.constant 0 : i32
      %dma_start3A_7 = tpu.memref_slice %arg2[%add3A, %dma_start3A, %dma_start3A_6] : memref<32x80x128xi32, #tpu.memory_space<hbm>> -> memref<1x80x128xi32, #tpu.memory_space<hbm>>
      %dma_start3A_8 = tpu.memref_squeeze %dma_start3A_7 : memref<1x80x128xi32, #tpu.memory_space<hbm>> -> memref<80x128xi32, #tpu.memory_space<hbm>>
      %dma_start3A_9 = arith.constant 0 : i32
      %dma_start3A_10 = arith.constant 0 : i32
      %dma_start3A_11 = tpu.memref_slice %arg2[%add3A, %dma_start3A_9, %dma_start3A_10] : memref<32x80x128xi32, #tpu.memory_space<hbm>> -> memref<1x80x128xi32, #tpu.memory_space<hbm>>
      %dma_start3A_12 = tpu.memref_squeeze %dma_start3A_11 : memref<1x80x128xi32, #tpu.memory_space<hbm>> -> memref<80x128xi32, #tpu.memory_space<hbm>>
      tpu.enqueue_dma source(%dma_start3A_12 : memref<80x128xi32, #tpu.memory_space<hbm>>) target(%arg5 : memref<80x128xi32, #tpu.memory_space<vmem>>) target_semaphore(%run_scoped3A : memref<!tpu.dma_semaphore, #tpu.memory_space<semaphore_mem>>)
      %dma_wait3A = arith.constant 0 : i32
      %dma_wait3A_13 = arith.constant 0 : i32
      %dma_wait3A_14 = tpu.memref_slice %arg2[%add3A, %dma_wait3A, %dma_wait3A_13] : memref<32x80x128xi32, #tpu.memory_space<hbm>> -> memref<1x80x128xi32, #tpu.memory_space<hbm>>
      %dma_wait3A_15 = tpu.memref_squeeze %dma_wait3A_14 : memref<1x80x128xi32, #tpu.memory_space<hbm>> -> memref<80x128xi32, #tpu.memory_space<hbm>>
      %dma_wait3A_16 = arith.constant 0 : i32
      %dma_wait3A_17 = arith.constant 0 : i32
      %dma_wait3A_18 = tpu.memref_slice %arg2[%add3A, %dma_wait3A_16, %dma_wait3A_17] : memref<32x80x128xi32, #tpu.memory_space<hbm>> -> memref<1x80x128xi32, #tpu.memory_space<hbm>>
      %dma_wait3A_19 = tpu.memref_squeeze %dma_wait3A_18 : memref<1x80x128xi32, #tpu.memory_space<hbm>> -> memref<80x128xi32, #tpu.memory_space<hbm>>
      tpu.wait_dma2 semaphore(%run_scoped3A : memref<!tpu.dma_semaphore, #tpu.memory_space<semaphore_mem>>) src(%dma_wait3A_19 : memref<80x128xi32, #tpu.memory_space<hbm>>) dst(%arg5 : memref<80x128xi32, #tpu.memory_space<vmem>>)
      tpu.yield
    }) : () -> ()
    %broadcast_in_dim3A = arith.constant 1.000000e+00 : f32
    %broadcast_in_dim3A_1 = vector.broadcast %broadcast_in_dim3A : f32 to vector<16xf32>
    %scan3A = arith.constant 0 : i32
    %scan3A_2 = arith.constant 80 : i32
    %scan3A_3 = arith.addi %scan3A, %scan3A_2 : i32
    %scan3A_4 = arith.constant 1 : i32
    scf.for %scan3A_6 = %scan3A to %scan3A_3 step %scan3A_4  : i32 {
      %mul3A_7 = arith.constant 1 : i32
      %mul3A_8 = arith.muli %scan3A_6, %mul3A_7 : i32
      %add3A_9 = arith.constant 0 : i32
      %add3A_10 = arith.addi %add3A_9, %mul3A_8 : i32
      %get3A = arith.index_cast %add3A_10 : i32 to index
      %get3A_11 = arith.constant 0 : index
      %get3A_12 = tpu.vector_load %arg5[%get3A, %get3A_11] {strides = array<i32>} : memref<80x128xi32, #tpu.memory_space<vmem>>, vector<16xi32>,
      tpu.vector_store_idx %arg6[%get3A_12], %broadcast_in_dim3A_1 {add = true} : memref<10240xf32, #tpu.memory_space<vmem>>[vector<16xi32>], vector<16xf32>,
      %get3A_13 = arith.index_cast %add3A_10 : i32 to index
      %get3A_14 = arith.constant 16 : index
      %get3A_15 = tpu.vector_load %arg5[%get3A_13, %get3A_14] {strides = array<i32>} : memref<80x128xi32, #tpu.memory_space<vmem>>, vector<16xi32>,
      tpu.vector_store_idx %arg6[%get3A_15], %broadcast_in_dim3A_1 {add = true} : memref<10240xf32, #tpu.memory_space<vmem>>[vector<16xi32>], vector<16xf32>,
      %get3A_16 = arith.index_cast %add3A_10 : i32 to index
      %get3A_17 = arith.constant 32 : index
      %get3A_18 = tpu.vector_load %arg5[%get3A_16, %get3A_17] {strides = array<i32>} : memref<80x128xi32, #tpu.memory_space<vmem>>, vector<16xi32>,
      tpu.vector_store_idx %arg6[%get3A_18], %broadcast_in_dim3A_1 {add = true} : memref<10240xf32, #tpu.memory_space<vmem>>[vector<16xi32>], vector<16xf32>,
      %get3A_19 = arith.index_cast %add3A_10 : i32 to index
      %get3A_20 = arith.constant 48 : index
      %get3A_21 = tpu.vector_load %arg5[%get3A_19, %get3A_20] {strides = array<i32>} : memref<80x128xi32, #tpu.memory_space<vmem>>, vector<16xi32>,
      tpu.vector_store_idx %arg6[%get3A_21], %broadcast_in_dim3A_1 {add = true} : memref<10240xf32, #tpu.memory_space<vmem>>[vector<16xi32>], vector<16xf32>,
      %get3A_22 = arith.index_cast %add3A_10 : i32 to index
      %get3A_23 = arith.constant 64 : index
      %get3A_24 = tpu.vector_load %arg5[%get3A_22, %get3A_23] {strides = array<i32>} : memref<80x128xi32, #tpu.memory_space<vmem>>, vector<16xi32>,
      tpu.vector_store_idx %arg6[%get3A_24], %broadcast_in_dim3A_1 {add = true} : memref<10240xf32, #tpu.memory_space<vmem>>[vector<16xi32>], vector<16xf32>,
      %get3A_25 = arith.index_cast %add3A_10 : i32 to index
      %get3A_26 = arith.constant 80 : index
      %get3A_27 = tpu.vector_load %arg5[%get3A_25, %get3A_26] {strides = array<i32>} : memref<80x128xi32, #tpu.memory_space<vmem>>, vector<16xi32>,
      tpu.vector_store_idx %arg6[%get3A_27], %broadcast_in_dim3A_1 {add = true} : memref<10240xf32, #tpu.memory_space<vmem>>[vector<16xi32>], vector<16xf32>,
      %get3A_28 = arith.index_cast %add3A_10 : i32 to index
      %get3A_29 = arith.constant 96 : index
      %get3A_30 = tpu.vector_load %arg5[%get3A_28, %get3A_29] {strides = array<i32>} : memref<80x128xi32, #tpu.memory_space<vmem>>, vector<16xi32>,
      tpu.vector_store_idx %arg6[%get3A_30], %broadcast_in_dim3A_1 {add = true} : memref<10240xf32, #tpu.memory_space<vmem>>[vector<16xi32>], vector<16xf32>,
      %get3A_31 = arith.index_cast %add3A_10 : i32 to index
      %get3A_32 = arith.constant 112 : index
      %get3A_33 = tpu.vector_load %arg5[%get3A_31, %get3A_32] {strides = array<i32>} : memref<80x128xi32, #tpu.memory_space<vmem>>, vector<16xi32>,
      tpu.vector_store_idx %arg6[%get3A_33], %broadcast_in_dim3A_1 {add = true} : memref<10240xf32, #tpu.memory_space<vmem>>[vector<16xi32>], vector<16xf32>,
    }
    %scan3A_5 = arith.constant 80 : i32
    "tpu.region"() ({
      %run_scoped3A = tpu.sem_alloc : memref<!tpu.dma_semaphore, #tpu.memory_space<semaphore_mem>>
      %dma_start3A = arith.constant 0 : i32
      %dma_start3A_6 = tpu.memref_slice %arg4[%add3A, %dma_start3A] : memref<32x10240xf32, #tpu.memory_space<hbm>> -> memref<1x10240xf32, #tpu.memory_space<hbm>>
      %dma_start3A_7 = tpu.memref_squeeze %dma_start3A_6 : memref<1x10240xf32, #tpu.memory_space<hbm>> -> memref<10240xf32, #tpu.memory_space<hbm>>
      %dma_start3A_8 = arith.constant 0 : i32
      %dma_start3A_9 = tpu.memref_slice %arg4[%add3A, %dma_start3A_8] : memref<32x10240xf32, #tpu.memory_space<hbm>> -> memref<1x10240xf32, #tpu.memory_space<hbm>>
      %dma_start3A_10 = tpu.memref_squeeze %dma_start3A_9 : memref<1x10240xf32, #tpu.memory_space<hbm>> -> memref<10240xf32, #tpu.memory_space<hbm>>
      tpu.enqueue_dma source(%arg6 : memref<10240xf32, #tpu.memory_space<vmem>>) target(%dma_start3A_10 : memref<10240xf32, #tpu.memory_space<hbm>>) target_semaphore(%run_scoped3A : memref<!tpu.dma_semaphore, #tpu.memory_space<semaphore_mem>>)
      %dma_wait3A = arith.constant 0 : i32
      %dma_wait3A_11 = tpu.memref_slice %arg4[%add3A, %dma_wait3A] : memref<32x10240xf32, #tpu.memory_space<hbm>> -> memref<1x10240xf32, #tpu.memory_space<hbm>>
      %dma_wait3A_12 = tpu.memref_squeeze %dma_wait3A_11 : memref<1x10240xf32, #tpu.memory_space<hbm>> -> memref<10240xf32, #tpu.memory_space<hbm>>
      %dma_wait3A_13 = arith.constant 0 : i32
      %dma_wait3A_14 = tpu.memref_slice %arg4[%add3A, %dma_wait3A_13] : memref<32x10240xf32, #tpu.memory_space<hbm>> -> memref<1x10240xf32, #tpu.memory_space<hbm>>
      %dma_wait3A_15 = tpu.memref_squeeze %dma_wait3A_14 : memref<1x10240xf32, #tpu.memory_space<hbm>> -> memref<10240xf32, #tpu.memory_space<hbm>>
      tpu.wait_dma2 semaphore(%run_scoped3A : memref<!tpu.dma_semaphore, #tpu.memory_space<semaphore_mem>>) src(%arg6 : memref<10240xf32, #tpu.memory_space<vmem>>) dst(%dma_wait3A_15 : memref<10240xf32, #tpu.memory_space<hbm>>)
      tpu.yield
    }) : () -> ()
    return
  }
}

#map = affine_map<(d0, d1) -> (0, 0)>
#map1 = affine_map<(d0, d1) -> (0, 0, 0)>
module attributes {stable_mosaic.version = 14 : i64} {
  func.func @_edge_scatter(%arg0: i32, %arg1: i32, %arg2: memref<10240x128xf32, #tpu.memory_space<hbm>>, %arg3: memref<32x80x128xi32, #tpu.memory_space<hbm>>, %arg4: memref<32x80x128xi32, #tpu.memory_space<hbm>>, %arg5: memref<640x128xf32, #tpu.memory_space<hbm>>, %arg6: memref<2x10240x128xf32, #tpu.memory_space<hbm>>, %arg7: memref<40x128xi32, #tpu.memory_space<vmem>>, %arg8: memref<40x128xi32, #tpu.memory_space<vmem>>, %arg9: memref<128x128xf32, #tpu.memory_space<vmem>>, %arg10: memref<128x128xf32, #tpu.memory_space<vmem>>, %arg11: memref<10240x128xf32, #tpu.memory_space<vmem_shared>>, %arg12: memref<!tpu.dma_semaphore, #tpu.memory_space<semaphore_mem>>, %arg13: memref<!tpu.dma_semaphore, #tpu.memory_space<semaphore_mem>>) attributes {dimension_semantics = [#tpu.dimension_semantics<core_parallel>, #tpu.dimension_semantics<subcore_parallel>], iteration_bounds = array<i64: 2, 16>, scalar_prefetch = 0 : i64, scratch_operands = 7 : i64, tpu.core_type = #tpu.core_type<sc_vector_subcore>, window_params = [{transform_indices = #map}, {transform_indices = #map1}, {transform_indices = #map1}, {transform_indices = #map}, {transform_indices = #map1}]} {
    %mul3A = arith.constant 16 : i32
    %mul3A_0 = arith.muli %arg0, %mul3A : i32
    %add3A = arith.addi %mul3A_0, %arg1 : i32
    %mul3A_1 = arith.constant 640 : i32
    %mul3A_2 = arith.muli %arg1, %mul3A_1 : i32
    "tpu.region"() ({
      %run_scoped3A = tpu.sem_alloc : memref<!tpu.dma_semaphore, #tpu.memory_space<semaphore_mem>>
      %dma_start3A_44 = arith.constant 0 : i32
      %dma_start3A_45 = tpu.memref_slice %arg11[%mul3A_2, %dma_start3A_44] : memref<10240x128xf32, #tpu.memory_space<vmem_shared>> -> memref<640x128xf32, #tpu.memory_space<vmem_shared>>
      tpu.enqueue_dma source(%arg5 : memref<640x128xf32, #tpu.memory_space<hbm>>) target(%dma_start3A_45 : memref<640x128xf32, #tpu.memory_space<vmem_shared>>) target_semaphore(%run_scoped3A : memref<!tpu.dma_semaphore, #tpu.memory_space<semaphore_mem>>)
      %dma_wait3A = arith.constant 0 : i32
      %dma_wait3A_46 = tpu.memref_slice %arg11[%mul3A_2, %dma_wait3A] : memref<10240x128xf32, #tpu.memory_space<vmem_shared>> -> memref<640x128xf32, #tpu.memory_space<vmem_shared>>
      tpu.wait_dma2 semaphore(%run_scoped3A : memref<!tpu.dma_semaphore, #tpu.memory_space<semaphore_mem>>) src(%arg5 : memref<640x128xf32, #tpu.memory_space<hbm>>) dst(%dma_wait3A_46 : memref<640x128xf32, #tpu.memory_space<vmem_shared>>)
      tpu.yield
    }) : () -> ()
    %barrier3A = arith.constant 0 : index
    tpu.barrier barrier_id(%barrier3A)
    "tpu.region"() ({
      %run_scoped3A = tpu.sem_alloc : memref<!tpu.dma_semaphore, #tpu.memory_space<semaphore_mem>>
      %dma_start3A_44 = arith.constant 0 : i32
      %dma_start3A_45 = arith.constant 0 : i32
      %dma_start3A_46 = tpu.memref_slice %arg3[%add3A, %dma_start3A_44, %dma_start3A_45] : memref<32x80x128xi32, #tpu.memory_space<hbm>> -> memref<1x40x128xi32, #tpu.memory_space<hbm>>
      %dma_start3A_47 = tpu.memref_squeeze %dma_start3A_46 : memref<1x40x128xi32, #tpu.memory_space<hbm>> -> memref<40x128xi32, #tpu.memory_space<hbm>>
      %dma_start3A_48 = arith.constant 0 : i32
      %dma_start3A_49 = arith.constant 0 : i32
      %dma_start3A_50 = tpu.memref_slice %arg3[%add3A, %dma_start3A_48, %dma_start3A_49] : memref<32x80x128xi32, #tpu.memory_space<hbm>> -> memref<1x40x128xi32, #tpu.memory_space<hbm>>
      %dma_start3A_51 = tpu.memref_squeeze %dma_start3A_50 : memref<1x40x128xi32, #tpu.memory_space<hbm>> -> memref<40x128xi32, #tpu.memory_space<hbm>>
      tpu.enqueue_dma source(%dma_start3A_51 : memref<40x128xi32, #tpu.memory_space<hbm>>) target(%arg7 : memref<40x128xi32, #tpu.memory_space<vmem>>) target_semaphore(%run_scoped3A : memref<!tpu.dma_semaphore, #tpu.memory_space<semaphore_mem>>)
      %dma_wait3A = arith.constant 0 : i32
      %dma_wait3A_52 = arith.constant 0 : i32
      %dma_wait3A_53 = tpu.memref_slice %arg3[%add3A, %dma_wait3A, %dma_wait3A_52] : memref<32x80x128xi32, #tpu.memory_space<hbm>> -> memref<1x40x128xi32, #tpu.memory_space<hbm>>
      %dma_wait3A_54 = tpu.memref_squeeze %dma_wait3A_53 : memref<1x40x128xi32, #tpu.memory_space<hbm>> -> memref<40x128xi32, #tpu.memory_space<hbm>>
      %dma_wait3A_55 = arith.constant 0 : i32
      %dma_wait3A_56 = arith.constant 0 : i32
      %dma_wait3A_57 = tpu.memref_slice %arg3[%add3A, %dma_wait3A_55, %dma_wait3A_56] : memref<32x80x128xi32, #tpu.memory_space<hbm>> -> memref<1x40x128xi32, #tpu.memory_space<hbm>>
      %dma_wait3A_58 = tpu.memref_squeeze %dma_wait3A_57 : memref<1x40x128xi32, #tpu.memory_space<hbm>> -> memref<40x128xi32, #tpu.memory_space<hbm>>
      tpu.wait_dma2 semaphore(%run_scoped3A : memref<!tpu.dma_semaphore, #tpu.memory_space<semaphore_mem>>) src(%dma_wait3A_58 : memref<40x128xi32, #tpu.memory_space<hbm>>) dst(%arg7 : memref<40x128xi32, #tpu.memory_space<vmem>>)
      tpu.yield
    }) : () -> ()
    "tpu.region"() ({
      %run_scoped3A = tpu.sem_alloc : memref<!tpu.dma_semaphore, #tpu.memory_space<semaphore_mem>>
      %dma_start3A_44 = arith.constant 0 : i32
      %dma_start3A_45 = arith.constant 0 : i32
      %dma_start3A_46 = tpu.memref_slice %arg4[%add3A, %dma_start3A_44, %dma_start3A_45] : memref<32x80x128xi32, #tpu.memory_space<hbm>> -> memref<1x40x128xi32, #tpu.memory_space<hbm>>
      %dma_start3A_47 = tpu.memref_squeeze %dma_start3A_46 : memref<1x40x128xi32, #tpu.memory_space<hbm>> -> memref<40x128xi32, #tpu.memory_space<hbm>>
      %dma_start3A_48 = arith.constant 0 : i32
      %dma_start3A_49 = arith.constant 0 : i32
      %dma_start3A_50 = tpu.memref_slice %arg4[%add3A, %dma_start3A_48, %dma_start3A_49] : memref<32x80x128xi32, #tpu.memory_space<hbm>> -> memref<1x40x128xi32, #tpu.memory_space<hbm>>
      %dma_start3A_51 = tpu.memref_squeeze %dma_start3A_50 : memref<1x40x128xi32, #tpu.memory_space<hbm>> -> memref<40x128xi32, #tpu.memory_space<hbm>>
      tpu.enqueue_dma source(%dma_start3A_51 : memref<40x128xi32, #tpu.memory_space<hbm>>) target(%arg8 : memref<40x128xi32, #tpu.memory_space<vmem>>) target_semaphore(%run_scoped3A : memref<!tpu.dma_semaphore, #tpu.memory_space<semaphore_mem>>)
      %dma_wait3A = arith.constant 0 : i32
      %dma_wait3A_52 = arith.constant 0 : i32
      %dma_wait3A_53 = tpu.memref_slice %arg4[%add3A, %dma_wait3A, %dma_wait3A_52] : memref<32x80x128xi32, #tpu.memory_space<hbm>> -> memref<1x40x128xi32, #tpu.memory_space<hbm>>
      %dma_wait3A_54 = tpu.memref_squeeze %dma_wait3A_53 : memref<1x40x128xi32, #tpu.memory_space<hbm>> -> memref<40x128xi32, #tpu.memory_space<hbm>>
      %dma_wait3A_55 = arith.constant 0 : i32
      %dma_wait3A_56 = arith.constant 0 : i32
      %dma_wait3A_57 = tpu.memref_slice %arg4[%add3A, %dma_wait3A_55, %dma_wait3A_56] : memref<32x80x128xi32, #tpu.memory_space<hbm>> -> memref<1x40x128xi32, #tpu.memory_space<hbm>>
      %dma_wait3A_58 = tpu.memref_squeeze %dma_wait3A_57 : memref<1x40x128xi32, #tpu.memory_space<hbm>> -> memref<40x128xi32, #tpu.memory_space<hbm>>
      tpu.wait_dma2 semaphore(%run_scoped3A : memref<!tpu.dma_semaphore, #tpu.memory_space<semaphore_mem>>) src(%dma_wait3A_58 : memref<40x128xi32, #tpu.memory_space<hbm>>) dst(%arg8 : memref<40x128xi32, #tpu.memory_space<vmem>>)
      tpu.yield
    }) : () -> ()
    %dma_start3A = arith.constant 0 : i32
    %dma_start3A_3 = arith.constant 0 : i32
    %dma_start3A_4 = tpu.memref_slice %arg7[%dma_start3A, %dma_start3A_3] : memref<40x128xi32, #tpu.memory_space<vmem>> -> memref<1x128xi32, #tpu.memory_space<vmem>>
    %dma_start3A_5 = tpu.memref_squeeze %dma_start3A_4 : memref<1x128xi32, #tpu.memory_space<vmem>> -> memref<128xi32, #tpu.memory_space<vmem>>
    %dma_start3A_6 = arith.constant 0 : i32
    %dma_start3A_7 = arith.constant 0 : i32
    %dma_start3A_8 = tpu.memref_slice %arg2[%dma_start3A_6, %dma_start3A_7] : memref<10240x128xf32, #tpu.memory_space<hbm>> -> memref<10240x128xf32, #tpu.memory_space<hbm>>
    tpu.enqueue_indirect_dma source(%dma_start3A_8 : memref<10240x128xf32, #tpu.memory_space<hbm>>) target(%arg9 : memref<128x128xf32, #tpu.memory_space<vmem>>) offsets(%dma_start3A_5 : memref<128xi32, #tpu.memory_space<vmem>>) semaphore(%arg12 : memref<!tpu.dma_semaphore, #tpu.memory_space<semaphore_mem>>)
    %dma_start3A_9 = arith.constant 1 : i32
    %dma_start3A_10 = arith.constant 0 : i32
    %dma_start3A_11 = tpu.memref_slice %arg7[%dma_start3A_9, %dma_start3A_10] : memref<40x128xi32, #tpu.memory_space<vmem>> -> memref<1x128xi32, #tpu.memory_space<vmem>>
    %dma_start3A_12 = tpu.memref_squeeze %dma_start3A_11 : memref<1x128xi32, #tpu.memory_space<vmem>> -> memref<128xi32, #tpu.memory_space<vmem>>
    %dma_start3A_13 = arith.constant 0 : i32
    %dma_start3A_14 = arith.constant 0 : i32
    %dma_start3A_15 = tpu.memref_slice %arg2[%dma_start3A_13, %dma_start3A_14] : memref<10240x128xf32, #tpu.memory_space<hbm>> -> memref<10240x128xf32, #tpu.memory_space<hbm>>
    tpu.enqueue_indirect_dma source(%dma_start3A_15 : memref<10240x128xf32, #tpu.memory_space<hbm>>) target(%arg10 : memref<128x128xf32, #tpu.memory_space<vmem>>) offsets(%dma_start3A_12 : memref<128xi32, #tpu.memory_space<vmem>>) semaphore(%arg13 : memref<!tpu.dma_semaphore, #tpu.memory_space<semaphore_mem>>)
    %scan3A = arith.constant 0 : i32
    %scan3A_16 = arith.constant 20 : i32
    %scan3A_17 = arith.addi %scan3A, %scan3A_16 : i32
    %scan3A_18 = arith.constant 1 : i32
    scf.for %scan3A_44 = %scan3A to %scan3A_17 step %scan3A_18  : i32 {
      %mul3A_45 = arith.constant 1 : i32
      %mul3A_46 = arith.muli %scan3A_44, %mul3A_45 : i32
      %add3A_47 = arith.constant 0 : i32
      %add3A_48 = arith.addi %add3A_47, %mul3A_46 : i32
      %mul3A_49 = arith.constant 2 : i32
      %mul3A_50 = arith.muli %add3A_48, %mul3A_49 : i32
      %add3A_51 = arith.constant 0 : i32
      %add3A_52 = arith.addi %mul3A_50, %add3A_51 : i32
      %dma_wait3A = arith.constant 0 : i32
      %dma_wait3A_53 = tpu.memref_slice %arg7[%add3A_52, %dma_wait3A] : memref<40x128xi32, #tpu.memory_space<vmem>> -> memref<1x128xi32, #tpu.memory_space<vmem>>
      %dma_wait3A_54 = tpu.memref_squeeze %dma_wait3A_53 : memref<1x128xi32, #tpu.memory_space<vmem>> -> memref<128xi32, #tpu.memory_space<vmem>>
      %dma_wait3A_55 = arith.constant 0 : i32
      %dma_wait3A_56 = arith.constant 0 : i32
      %dma_wait3A_57 = tpu.memref_slice %arg2[%dma_wait3A_55, %dma_wait3A_56] : memref<10240x128xf32, #tpu.memory_space<hbm>> -> memref<10240x128xf32, #tpu.memory_space<hbm>>
      tpu.wait_indirect_dma semaphore(%arg12 : memref<!tpu.dma_semaphore, #tpu.memory_space<semaphore_mem>>) src(%dma_wait3A_57 : memref<10240x128xf32, #tpu.memory_space<hbm>>) dst(%arg9 : memref<128x128xf32, #tpu.memory_space<vmem>>)
      "tpu.region"() ({
        %run_scoped3A = tpu.sem_alloc : memref<!tpu.dma_semaphore, #tpu.memory_space<semaphore_mem>>
        %dma_start3A_79 = arith.constant 0 : i32
        %dma_start3A_80 = tpu.memref_slice %arg8[%add3A_52, %dma_start3A_79] : memref<40x128xi32, #tpu.memory_space<vmem>> -> memref<1x128xi32, #tpu.memory_space<vmem>>
        %dma_start3A_81 = tpu.memref_squeeze %dma_start3A_80 : memref<1x128xi32, #tpu.memory_space<vmem>> -> memref<128xi32, #tpu.memory_space<vmem>>
        %dma_start3A_82 = arith.constant 0 : i32
        %dma_start3A_83 = arith.constant 0 : i32
        %dma_start3A_84 = tpu.memref_slice %arg11[%dma_start3A_82, %dma_start3A_83] : memref<10240x128xf32, #tpu.memory_space<vmem_shared>> -> memref<10240x128xf32, #tpu.memory_space<vmem_shared>>
        tpu.enqueue_indirect_dma source(%arg9 : memref<128x128xf32, #tpu.memory_space<vmem>>) target(%dma_start3A_84 : memref<10240x128xf32, #tpu.memory_space<vmem_shared>>) offsets(%dma_start3A_81 : memref<128xi32, #tpu.memory_space<vmem>>) semaphore(%run_scoped3A : memref<!tpu.dma_semaphore, #tpu.memory_space<semaphore_mem>>) {add = true}
        %dma_wait3A_85 = arith.constant 0 : i32
        %dma_wait3A_86 = tpu.memref_slice %arg8[%add3A_52, %dma_wait3A_85] : memref<40x128xi32, #tpu.memory_space<vmem>> -> memref<1x128xi32, #tpu.memory_space<vmem>>
        %dma_wait3A_87 = tpu.memref_squeeze %dma_wait3A_86 : memref<1x128xi32, #tpu.memory_space<vmem>> -> memref<128xi32, #tpu.memory_space<vmem>>
        %dma_wait3A_88 = arith.constant 0 : i32
        %dma_wait3A_89 = arith.constant 0 : i32
        %dma_wait3A_90 = tpu.memref_slice %arg11[%dma_wait3A_88, %dma_wait3A_89] : memref<10240x128xf32, #tpu.memory_space<vmem_shared>> -> memref<10240x128xf32, #tpu.memory_space<vmem_shared>>
        tpu.wait_indirect_dma semaphore(%run_scoped3A : memref<!tpu.dma_semaphore, #tpu.memory_space<semaphore_mem>>) src(%arg9 : memref<128x128xf32, #tpu.memory_space<vmem>>) dst(%dma_wait3A_90 : memref<10240x128xf32, #tpu.memory_space<vmem_shared>>)
        tpu.yield
      }) : () -> ()
      %add3A_58 = arith.constant 2 : i32
      %add3A_59 = arith.addi %add3A_52, %add3A_58 : i32
      %lt3A = arith.constant 40 : i32
      %lt3A_60 = arith.cmpi slt, %add3A_59, %lt3A : i32
      %convert_element_type3A = arith.extui %lt3A_60 : i1 to i32
      %cond3A = arith.constant 0 : i32
      %cond3A_61 = arith.cmpi ne, %convert_element_type3A, %cond3A : i32
      scf.if %cond3A_61 {
        %add3A_79 = arith.constant 2 : i32
        %add3A_80 = arith.addi %add3A_52, %add3A_79 : i32
        %dma_start3A_81 = arith.constant 0 : i32
        %dma_start3A_82 = tpu.memref_slice %arg7[%add3A_80, %dma_start3A_81] : memref<40x128xi32, #tpu.memory_space<vmem>> -> memref<1x128xi32, #tpu.memory_space<vmem>>
        %dma_start3A_83 = tpu.memref_squeeze %dma_start3A_82 : memref<1x128xi32, #tpu.memory_space<vmem>> -> memref<128xi32, #tpu.memory_space<vmem>>
        %dma_start3A_84 = arith.constant 0 : i32
        %dma_start3A_85 = arith.constant 0 : i32
        %dma_start3A_86 = tpu.memref_slice %arg2[%dma_start3A_84, %dma_start3A_85] : memref<10240x128xf32, #tpu.memory_space<hbm>> -> memref<10240x128xf32, #tpu.memory_space<hbm>>
        tpu.enqueue_indirect_dma source(%dma_start3A_86 : memref<10240x128xf32, #tpu.memory_space<hbm>>) target(%arg9 : memref<128x128xf32, #tpu.memory_space<vmem>>) offsets(%dma_start3A_83 : memref<128xi32, #tpu.memory_space<vmem>>) semaphore(%arg12 : memref<!tpu.dma_semaphore, #tpu.memory_space<semaphore_mem>>)
      } else {
      }
      %mul3A_62 = arith.constant 2 : i32
      %mul3A_63 = arith.muli %add3A_48, %mul3A_62 : i32
      %add3A_64 = arith.constant 1 : i32
      %add3A_65 = arith.addi %mul3A_63, %add3A_64 : i32
      %dma_wait3A_66 = arith.constant 0 : i32
      %dma_wait3A_67 = tpu.memref_slice %arg7[%add3A_65, %dma_wait3A_66] : memref<40x128xi32, #tpu.memory_space<vmem>> -> memref<1x128xi32, #tpu.memory_space<vmem>>
      %dma_wait3A_68 = tpu.memref_squeeze %dma_wait3A_67 : memref<1x128xi32, #tpu.memory_space<vmem>> -> memref<128xi32, #tpu.memory_space<vmem>>
      %dma_wait3A_69 = arith.constant 0 : i32
      %dma_wait3A_70 = arith.constant 0 : i32
      %dma_wait3A_71 = tpu.memref_slice %arg2[%dma_wait3A_69, %dma_wait3A_70] : memref<10240x128xf32, #tpu.memory_space<hbm>> -> memref<10240x128xf32, #tpu.memory_space<hbm>>
      tpu.wait_indirect_dma semaphore(%arg13 : memref<!tpu.dma_semaphore, #tpu.memory_space<semaphore_mem>>) src(%dma_wait3A_71 : memref<10240x128xf32, #tpu.memory_space<hbm>>) dst(%arg10 : memref<128x128xf32, #tpu.memory_space<vmem>>)
      "tpu.region"() ({
        %run_scoped3A = tpu.sem_alloc : memref<!tpu.dma_semaphore, #tpu.memory_space<semaphore_mem>>
        %dma_start3A_79 = arith.constant 0 : i32
        %dma_start3A_80 = tpu.memref_slice %arg8[%add3A_65, %dma_start3A_79] : memref<40x128xi32, #tpu.memory_space<vmem>> -> memref<1x128xi32, #tpu.memory_space<vmem>>
        %dma_start3A_81 = tpu.memref_squeeze %dma_start3A_80 : memref<1x128xi32, #tpu.memory_space<vmem>> -> memref<128xi32, #tpu.memory_space<vmem>>
        %dma_start3A_82 = arith.constant 0 : i32
        %dma_start3A_83 = arith.constant 0 : i32
        %dma_start3A_84 = tpu.memref_slice %arg11[%dma_start3A_82, %dma_start3A_83] : memref<10240x128xf32, #tpu.memory_space<vmem_shared>> -> memref<10240x128xf32, #tpu.memory_space<vmem_shared>>
        tpu.enqueue_indirect_dma source(%arg10 : memref<128x128xf32, #tpu.memory_space<vmem>>) target(%dma_start3A_84 : memref<10240x128xf32, #tpu.memory_space<vmem_shared>>) offsets(%dma_start3A_81 : memref<128xi32, #tpu.memory_space<vmem>>) semaphore(%run_scoped3A : memref<!tpu.dma_semaphore, #tpu.memory_space<semaphore_mem>>) {add = true}
        %dma_wait3A_85 = arith.constant 0 : i32
        %dma_wait3A_86 = tpu.memref_slice %arg8[%add3A_65, %dma_wait3A_85] : memref<40x128xi32, #tpu.memory_space<vmem>> -> memref<1x128xi32, #tpu.memory_space<vmem>>
        %dma_wait3A_87 = tpu.memref_squeeze %dma_wait3A_86 : memref<1x128xi32, #tpu.memory_space<vmem>> -> memref<128xi32, #tpu.memory_space<vmem>>
        %dma_wait3A_88 = arith.constant 0 : i32
        %dma_wait3A_89 = arith.constant 0 : i32
        %dma_wait3A_90 = tpu.memref_slice %arg11[%dma_wait3A_88, %dma_wait3A_89] : memref<10240x128xf32, #tpu.memory_space<vmem_shared>> -> memref<10240x128xf32, #tpu.memory_space<vmem_shared>>
        tpu.wait_indirect_dma semaphore(%run_scoped3A : memref<!tpu.dma_semaphore, #tpu.memory_space<semaphore_mem>>) src(%arg10 : memref<128x128xf32, #tpu.memory_space<vmem>>) dst(%dma_wait3A_90 : memref<10240x128xf32, #tpu.memory_space<vmem_shared>>)
        tpu.yield
      }) : () -> ()
      %add3A_72 = arith.constant 2 : i32
      %add3A_73 = arith.addi %add3A_65, %add3A_72 : i32
      %lt3A_74 = arith.constant 40 : i32
      %lt3A_75 = arith.cmpi slt, %add3A_73, %lt3A_74 : i32
      %convert_element_type3A_76 = arith.extui %lt3A_75 : i1 to i32
      %cond3A_77 = arith.constant 0 : i32
      %cond3A_78 = arith.cmpi ne, %convert_element_type3A_76, %cond3A_77 : i32
      scf.if %cond3A_78 {
        %add3A_79 = arith.constant 2 : i32
        %add3A_80 = arith.addi %add3A_65, %add3A_79 : i32
        %dma_start3A_81 = arith.constant 0 : i32
        %dma_start3A_82 = tpu.memref_slice %arg7[%add3A_80, %dma_start3A_81] : memref<40x128xi32, #tpu.memory_space<vmem>> -> memref<1x128xi32, #tpu.memory_space<vmem>>
        %dma_start3A_83 = tpu.memref_squeeze %dma_start3A_82 : memref<1x128xi32, #tpu.memory_space<vmem>> -> memref<128xi32, #tpu.memory_space<vmem>>
        %dma_start3A_84 = arith.constant 0 : i32
        %dma_start3A_85 = arith.constant 0 : i32
        %dma_start3A_86 = tpu.memref_slice %arg2[%dma_start3A_84, %dma_start3A_85] : memref<10240x128xf32, #tpu.memory_space<hbm>> -> memref<10240x128xf32, #tpu.memory_space<hbm>>
        tpu.enqueue_indirect_dma source(%dma_start3A_86 : memref<10240x128xf32, #tpu.memory_space<hbm>>) target(%arg10 : memref<128x128xf32, #tpu.memory_space<vmem>>) offsets(%dma_start3A_83 : memref<128xi32, #tpu.memory_space<vmem>>) semaphore(%arg13 : memref<!tpu.dma_semaphore, #tpu.memory_space<semaphore_mem>>)
      } else {
      }
    }
    %scan3A_19 = arith.constant 20 : i32
    "tpu.region"() ({
      %run_scoped3A = tpu.sem_alloc : memref<!tpu.dma_semaphore, #tpu.memory_space<semaphore_mem>>
      %dma_start3A_44 = arith.constant 40 : i32
      %dma_start3A_45 = arith.constant 0 : i32
      %dma_start3A_46 = tpu.memref_slice %arg3[%add3A, %dma_start3A_44, %dma_start3A_45] : memref<32x80x128xi32, #tpu.memory_space<hbm>> -> memref<1x40x128xi32, #tpu.memory_space<hbm>>
      %dma_start3A_47 = tpu.memref_squeeze %dma_start3A_46 : memref<1x40x128xi32, #tpu.memory_space<hbm>> -> memref<40x128xi32, #tpu.memory_space<hbm>>
      %dma_start3A_48 = arith.constant 40 : i32
      %dma_start3A_49 = arith.constant 0 : i32
      %dma_start3A_50 = tpu.memref_slice %arg3[%add3A, %dma_start3A_48, %dma_start3A_49] : memref<32x80x128xi32, #tpu.memory_space<hbm>> -> memref<1x40x128xi32, #tpu.memory_space<hbm>>
      %dma_start3A_51 = tpu.memref_squeeze %dma_start3A_50 : memref<1x40x128xi32, #tpu.memory_space<hbm>> -> memref<40x128xi32, #tpu.memory_space<hbm>>
      tpu.enqueue_dma source(%dma_start3A_51 : memref<40x128xi32, #tpu.memory_space<hbm>>) target(%arg7 : memref<40x128xi32, #tpu.memory_space<vmem>>) target_semaphore(%run_scoped3A : memref<!tpu.dma_semaphore, #tpu.memory_space<semaphore_mem>>)
      %dma_wait3A = arith.constant 40 : i32
      %dma_wait3A_52 = arith.constant 0 : i32
      %dma_wait3A_53 = tpu.memref_slice %arg3[%add3A, %dma_wait3A, %dma_wait3A_52] : memref<32x80x128xi32, #tpu.memory_space<hbm>> -> memref<1x40x128xi32, #tpu.memory_space<hbm>>
      %dma_wait3A_54 = tpu.memref_squeeze %dma_wait3A_53 : memref<1x40x128xi32, #tpu.memory_space<hbm>> -> memref<40x128xi32, #tpu.memory_space<hbm>>
      %dma_wait3A_55 = arith.constant 40 : i32
      %dma_wait3A_56 = arith.constant 0 : i32
      %dma_wait3A_57 = tpu.memref_slice %arg3[%add3A, %dma_wait3A_55, %dma_wait3A_56] : memref<32x80x128xi32, #tpu.memory_space<hbm>> -> memref<1x40x128xi32, #tpu.memory_space<hbm>>
      %dma_wait3A_58 = tpu.memref_squeeze %dma_wait3A_57 : memref<1x40x128xi32, #tpu.memory_space<hbm>> -> memref<40x128xi32, #tpu.memory_space<hbm>>
      tpu.wait_dma2 semaphore(%run_scoped3A : memref<!tpu.dma_semaphore, #tpu.memory_space<semaphore_mem>>) src(%dma_wait3A_58 : memref<40x128xi32, #tpu.memory_space<hbm>>) dst(%arg7 : memref<40x128xi32, #tpu.memory_space<vmem>>)
      tpu.yield
    }) : () -> ()
    "tpu.region"() ({
      %run_scoped3A = tpu.sem_alloc : memref<!tpu.dma_semaphore, #tpu.memory_space<semaphore_mem>>
      %dma_start3A_44 = arith.constant 40 : i32
      %dma_start3A_45 = arith.constant 0 : i32
      %dma_start3A_46 = tpu.memref_slice %arg4[%add3A, %dma_start3A_44, %dma_start3A_45] : memref<32x80x128xi32, #tpu.memory_space<hbm>> -> memref<1x40x128xi32, #tpu.memory_space<hbm>>
      %dma_start3A_47 = tpu.memref_squeeze %dma_start3A_46 : memref<1x40x128xi32, #tpu.memory_space<hbm>> -> memref<40x128xi32, #tpu.memory_space<hbm>>
      %dma_start3A_48 = arith.constant 40 : i32
      %dma_start3A_49 = arith.constant 0 : i32
      %dma_start3A_50 = tpu.memref_slice %arg4[%add3A, %dma_start3A_48, %dma_start3A_49] : memref<32x80x128xi32, #tpu.memory_space<hbm>> -> memref<1x40x128xi32, #tpu.memory_space<hbm>>
      %dma_start3A_51 = tpu.memref_squeeze %dma_start3A_50 : memref<1x40x128xi32, #tpu.memory_space<hbm>> -> memref<40x128xi32, #tpu.memory_space<hbm>>
      tpu.enqueue_dma source(%dma_start3A_51 : memref<40x128xi32, #tpu.memory_space<hbm>>) target(%arg8 : memref<40x128xi32, #tpu.memory_space<vmem>>) target_semaphore(%run_scoped3A : memref<!tpu.dma_semaphore, #tpu.memory_space<semaphore_mem>>)
      %dma_wait3A = arith.constant 40 : i32
      %dma_wait3A_52 = arith.constant 0 : i32
      %dma_wait3A_53 = tpu.memref_slice %arg4[%add3A, %dma_wait3A, %dma_wait3A_52] : memref<32x80x128xi32, #tpu.memory_space<hbm>> -> memref<1x40x128xi32, #tpu.memory_space<hbm>>
      %dma_wait3A_54 = tpu.memref_squeeze %dma_wait3A_53 : memref<1x40x128xi32, #tpu.memory_space<hbm>> -> memref<40x128xi32, #tpu.memory_space<hbm>>
      %dma_wait3A_55 = arith.constant 40 : i32
      %dma_wait3A_56 = arith.constant 0 : i32
      %dma_wait3A_57 = tpu.memref_slice %arg4[%add3A, %dma_wait3A_55, %dma_wait3A_56] : memref<32x80x128xi32, #tpu.memory_space<hbm>> -> memref<1x40x128xi32, #tpu.memory_space<hbm>>
      %dma_wait3A_58 = tpu.memref_squeeze %dma_wait3A_57 : memref<1x40x128xi32, #tpu.memory_space<hbm>> -> memref<40x128xi32, #tpu.memory_space<hbm>>
      tpu.wait_dma2 semaphore(%run_scoped3A : memref<!tpu.dma_semaphore, #tpu.memory_space<semaphore_mem>>) src(%dma_wait3A_58 : memref<40x128xi32, #tpu.memory_space<hbm>>) dst(%arg8 : memref<40x128xi32, #tpu.memory_space<vmem>>)
      tpu.yield
    }) : () -> ()
    %dma_start3A_20 = arith.constant 0 : i32
    %dma_start3A_21 = arith.constant 0 : i32
    %dma_start3A_22 = tpu.memref_slice %arg7[%dma_start3A_20, %dma_start3A_21] : memref<40x128xi32, #tpu.memory_space<vmem>> -> memref<1x128xi32, #tpu.memory_space<vmem>>
    %dma_start3A_23 = tpu.memref_squeeze %dma_start3A_22 : memref<1x128xi32, #tpu.memory_space<vmem>> -> memref<128xi32, #tpu.memory_space<vmem>>
    %dma_start3A_24 = arith.constant 0 : i32
    %dma_start3A_25 = arith.constant 0 : i32
    %dma_start3A_26 = tpu.memref_slice %arg2[%dma_start3A_24, %dma_start3A_25] : memref<10240x128xf32, #tpu.memory_space<hbm>> -> memref<10240x128xf32, #tpu.memory_space<hbm>>
    tpu.enqueue_indirect_dma source(%dma_start3A_26 : memref<10240x128xf32, #tpu.memory_space<hbm>>) target(%arg9 : memref<128x128xf32, #tpu.memory_space<vmem>>) offsets(%dma_start3A_23 : memref<128xi32, #tpu.memory_space<vmem>>) semaphore(%arg12 : memref<!tpu.dma_semaphore, #tpu.memory_space<semaphore_mem>>)
    %dma_start3A_27 = arith.constant 1 : i32
    %dma_start3A_28 = arith.constant 0 : i32
    %dma_start3A_29 = tpu.memref_slice %arg7[%dma_start3A_27, %dma_start3A_28] : memref<40x128xi32, #tpu.memory_space<vmem>> -> memref<1x128xi32, #tpu.memory_space<vmem>>
    %dma_start3A_30 = tpu.memref_squeeze %dma_start3A_29 : memref<1x128xi32, #tpu.memory_space<vmem>> -> memref<128xi32, #tpu.memory_space<vmem>>
    %dma_start3A_31 = arith.constant 0 : i32
    %dma_start3A_32 = arith.constant 0 : i32
    %dma_start3A_33 = tpu.memref_slice %arg2[%dma_start3A_31, %dma_start3A_32] : memref<10240x128xf32, #tpu.memory_space<hbm>> -> memref<10240x128xf32, #tpu.memory_space<hbm>>
    tpu.enqueue_indirect_dma source(%dma_start3A_33 : memref<10240x128xf32, #tpu.memory_space<hbm>>) target(%arg10 : memref<128x128xf32, #tpu.memory_space<vmem>>) offsets(%dma_start3A_30 : memref<128xi32, #tpu.memory_space<vmem>>) semaphore(%arg13 : memref<!tpu.dma_semaphore, #tpu.memory_space<semaphore_mem>>)
    %scan3A_34 = arith.constant 0 : i32
    %scan3A_35 = arith.constant 20 : i32
    %scan3A_36 = arith.addi %scan3A_34, %scan3A_35 : i32
    %scan3A_37 = arith.constant 1 : i32
    scf.for %scan3A_44 = %scan3A_34 to %scan3A_36 step %scan3A_37  : i32 {
      %mul3A_45 = arith.constant 1 : i32
      %mul3A_46 = arith.muli %scan3A_44, %mul3A_45 : i32
      %add3A_47 = arith.constant 0 : i32
      %add3A_48 = arith.addi %add3A_47, %mul3A_46 : i32
      %mul3A_49 = arith.constant 2 : i32
      %mul3A_50 = arith.muli %add3A_48, %mul3A_49 : i32
      %add3A_51 = arith.constant 0 : i32
      %add3A_52 = arith.addi %mul3A_50, %add3A_51 : i32
      %dma_wait3A = arith.constant 0 : i32
      %dma_wait3A_53 = tpu.memref_slice %arg7[%add3A_52, %dma_wait3A] : memref<40x128xi32, #tpu.memory_space<vmem>> -> memref<1x128xi32, #tpu.memory_space<vmem>>
      %dma_wait3A_54 = tpu.memref_squeeze %dma_wait3A_53 : memref<1x128xi32, #tpu.memory_space<vmem>> -> memref<128xi32, #tpu.memory_space<vmem>>
      %dma_wait3A_55 = arith.constant 0 : i32
      %dma_wait3A_56 = arith.constant 0 : i32
      %dma_wait3A_57 = tpu.memref_slice %arg2[%dma_wait3A_55, %dma_wait3A_56] : memref<10240x128xf32, #tpu.memory_space<hbm>> -> memref<10240x128xf32, #tpu.memory_space<hbm>>
      tpu.wait_indirect_dma semaphore(%arg12 : memref<!tpu.dma_semaphore, #tpu.memory_space<semaphore_mem>>) src(%dma_wait3A_57 : memref<10240x128xf32, #tpu.memory_space<hbm>>) dst(%arg9 : memref<128x128xf32, #tpu.memory_space<vmem>>)
      "tpu.region"() ({
        %run_scoped3A = tpu.sem_alloc : memref<!tpu.dma_semaphore, #tpu.memory_space<semaphore_mem>>
        %dma_start3A_79 = arith.constant 0 : i32
        %dma_start3A_80 = tpu.memref_slice %arg8[%add3A_52, %dma_start3A_79] : memref<40x128xi32, #tpu.memory_space<vmem>> -> memref<1x128xi32, #tpu.memory_space<vmem>>
        %dma_start3A_81 = tpu.memref_squeeze %dma_start3A_80 : memref<1x128xi32, #tpu.memory_space<vmem>> -> memref<128xi32, #tpu.memory_space<vmem>>
        %dma_start3A_82 = arith.constant 0 : i32
        %dma_start3A_83 = arith.constant 0 : i32
        %dma_start3A_84 = tpu.memref_slice %arg11[%dma_start3A_82, %dma_start3A_83] : memref<10240x128xf32, #tpu.memory_space<vmem_shared>> -> memref<10240x128xf32, #tpu.memory_space<vmem_shared>>
        tpu.enqueue_indirect_dma source(%arg9 : memref<128x128xf32, #tpu.memory_space<vmem>>) target(%dma_start3A_84 : memref<10240x128xf32, #tpu.memory_space<vmem_shared>>) offsets(%dma_start3A_81 : memref<128xi32, #tpu.memory_space<vmem>>) semaphore(%run_scoped3A : memref<!tpu.dma_semaphore, #tpu.memory_space<semaphore_mem>>) {add = true}
        %dma_wait3A_85 = arith.constant 0 : i32
        %dma_wait3A_86 = tpu.memref_slice %arg8[%add3A_52, %dma_wait3A_85] : memref<40x128xi32, #tpu.memory_space<vmem>> -> memref<1x128xi32, #tpu.memory_space<vmem>>
        %dma_wait3A_87 = tpu.memref_squeeze %dma_wait3A_86 : memref<1x128xi32, #tpu.memory_space<vmem>> -> memref<128xi32, #tpu.memory_space<vmem>>
        %dma_wait3A_88 = arith.constant 0 : i32
        %dma_wait3A_89 = arith.constant 0 : i32
        %dma_wait3A_90 = tpu.memref_slice %arg11[%dma_wait3A_88, %dma_wait3A_89] : memref<10240x128xf32, #tpu.memory_space<vmem_shared>> -> memref<10240x128xf32, #tpu.memory_space<vmem_shared>>
        tpu.wait_indirect_dma semaphore(%run_scoped3A : memref<!tpu.dma_semaphore, #tpu.memory_space<semaphore_mem>>) src(%arg9 : memref<128x128xf32, #tpu.memory_space<vmem>>) dst(%dma_wait3A_90 : memref<10240x128xf32, #tpu.memory_space<vmem_shared>>)
        tpu.yield
      }) : () -> ()
      %add3A_58 = arith.constant 2 : i32
      %add3A_59 = arith.addi %add3A_52, %add3A_58 : i32
      %lt3A = arith.constant 40 : i32
      %lt3A_60 = arith.cmpi slt, %add3A_59, %lt3A : i32
      %convert_element_type3A = arith.extui %lt3A_60 : i1 to i32
      %cond3A = arith.constant 0 : i32
      %cond3A_61 = arith.cmpi ne, %convert_element_type3A, %cond3A : i32
      scf.if %cond3A_61 {
        %add3A_79 = arith.constant 2 : i32
        %add3A_80 = arith.addi %add3A_52, %add3A_79 : i32
        %dma_start3A_81 = arith.constant 0 : i32
        %dma_start3A_82 = tpu.memref_slice %arg7[%add3A_80, %dma_start3A_81] : memref<40x128xi32, #tpu.memory_space<vmem>> -> memref<1x128xi32, #tpu.memory_space<vmem>>
        %dma_start3A_83 = tpu.memref_squeeze %dma_start3A_82 : memref<1x128xi32, #tpu.memory_space<vmem>> -> memref<128xi32, #tpu.memory_space<vmem>>
        %dma_start3A_84 = arith.constant 0 : i32
        %dma_start3A_85 = arith.constant 0 : i32
        %dma_start3A_86 = tpu.memref_slice %arg2[%dma_start3A_84, %dma_start3A_85] : memref<10240x128xf32, #tpu.memory_space<hbm>> -> memref<10240x128xf32, #tpu.memory_space<hbm>>
        tpu.enqueue_indirect_dma source(%dma_start3A_86 : memref<10240x128xf32, #tpu.memory_space<hbm>>) target(%arg9 : memref<128x128xf32, #tpu.memory_space<vmem>>) offsets(%dma_start3A_83 : memref<128xi32, #tpu.memory_space<vmem>>) semaphore(%arg12 : memref<!tpu.dma_semaphore, #tpu.memory_space<semaphore_mem>>)
      } else {
      }
      %mul3A_62 = arith.constant 2 : i32
      %mul3A_63 = arith.muli %add3A_48, %mul3A_62 : i32
      %add3A_64 = arith.constant 1 : i32
      %add3A_65 = arith.addi %mul3A_63, %add3A_64 : i32
      %dma_wait3A_66 = arith.constant 0 : i32
      %dma_wait3A_67 = tpu.memref_slice %arg7[%add3A_65, %dma_wait3A_66] : memref<40x128xi32, #tpu.memory_space<vmem>> -> memref<1x128xi32, #tpu.memory_space<vmem>>
      %dma_wait3A_68 = tpu.memref_squeeze %dma_wait3A_67 : memref<1x128xi32, #tpu.memory_space<vmem>> -> memref<128xi32, #tpu.memory_space<vmem>>
      %dma_wait3A_69 = arith.constant 0 : i32
      %dma_wait3A_70 = arith.constant 0 : i32
      %dma_wait3A_71 = tpu.memref_slice %arg2[%dma_wait3A_69, %dma_wait3A_70] : memref<10240x128xf32, #tpu.memory_space<hbm>> -> memref<10240x128xf32, #tpu.memory_space<hbm>>
      tpu.wait_indirect_dma semaphore(%arg13 : memref<!tpu.dma_semaphore, #tpu.memory_space<semaphore_mem>>) src(%dma_wait3A_71 : memref<10240x128xf32, #tpu.memory_space<hbm>>) dst(%arg10 : memref<128x128xf32, #tpu.memory_space<vmem>>)
      "tpu.region"() ({
        %run_scoped3A = tpu.sem_alloc : memref<!tpu.dma_semaphore, #tpu.memory_space<semaphore_mem>>
        %dma_start3A_79 = arith.constant 0 : i32
        %dma_start3A_80 = tpu.memref_slice %arg8[%add3A_65, %dma_start3A_79] : memref<40x128xi32, #tpu.memory_space<vmem>> -> memref<1x128xi32, #tpu.memory_space<vmem>>
        %dma_start3A_81 = tpu.memref_squeeze %dma_start3A_80 : memref<1x128xi32, #tpu.memory_space<vmem>> -> memref<128xi32, #tpu.memory_space<vmem>>
        %dma_start3A_82 = arith.constant 0 : i32
        %dma_start3A_83 = arith.constant 0 : i32
        %dma_start3A_84 = tpu.memref_slice %arg11[%dma_start3A_82, %dma_start3A_83] : memref<10240x128xf32, #tpu.memory_space<vmem_shared>> -> memref<10240x128xf32, #tpu.memory_space<vmem_shared>>
        tpu.enqueue_indirect_dma source(%arg10 : memref<128x128xf32, #tpu.memory_space<vmem>>) target(%dma_start3A_84 : memref<10240x128xf32, #tpu.memory_space<vmem_shared>>) offsets(%dma_start3A_81 : memref<128xi32, #tpu.memory_space<vmem>>) semaphore(%run_scoped3A : memref<!tpu.dma_semaphore, #tpu.memory_space<semaphore_mem>>) {add = true}
        %dma_wait3A_85 = arith.constant 0 : i32
        %dma_wait3A_86 = tpu.memref_slice %arg8[%add3A_65, %dma_wait3A_85] : memref<40x128xi32, #tpu.memory_space<vmem>> -> memref<1x128xi32, #tpu.memory_space<vmem>>
        %dma_wait3A_87 = tpu.memref_squeeze %dma_wait3A_86 : memref<1x128xi32, #tpu.memory_space<vmem>> -> memref<128xi32, #tpu.memory_space<vmem>>
        %dma_wait3A_88 = arith.constant 0 : i32
        %dma_wait3A_89 = arith.constant 0 : i32
        %dma_wait3A_90 = tpu.memref_slice %arg11[%dma_wait3A_88, %dma_wait3A_89] : memref<10240x128xf32, #tpu.memory_space<vmem_shared>> -> memref<10240x128xf32, #tpu.memory_space<vmem_shared>>
        tpu.wait_indirect_dma semaphore(%run_scoped3A : memref<!tpu.dma_semaphore, #tpu.memory_space<semaphore_mem>>) src(%arg10 : memref<128x128xf32, #tpu.memory_space<vmem>>) dst(%dma_wait3A_90 : memref<10240x128xf32, #tpu.memory_space<vmem_shared>>)
        tpu.yield
      }) : () -> ()
      %add3A_72 = arith.constant 2 : i32
      %add3A_73 = arith.addi %add3A_65, %add3A_72 : i32
      %lt3A_74 = arith.constant 40 : i32
      %lt3A_75 = arith.cmpi slt, %add3A_73, %lt3A_74 : i32
      %convert_element_type3A_76 = arith.extui %lt3A_75 : i1 to i32
      %cond3A_77 = arith.constant 0 : i32
      %cond3A_78 = arith.cmpi ne, %convert_element_type3A_76, %cond3A_77 : i32
      scf.if %cond3A_78 {
        %add3A_79 = arith.constant 2 : i32
        %add3A_80 = arith.addi %add3A_65, %add3A_79 : i32
        %dma_start3A_81 = arith.constant 0 : i32
        %dma_start3A_82 = tpu.memref_slice %arg7[%add3A_80, %dma_start3A_81] : memref<40x128xi32, #tpu.memory_space<vmem>> -> memref<1x128xi32, #tpu.memory_space<vmem>>
        %dma_start3A_83 = tpu.memref_squeeze %dma_start3A_82 : memref<1x128xi32, #tpu.memory_space<vmem>> -> memref<128xi32, #tpu.memory_space<vmem>>
        %dma_start3A_84 = arith.constant 0 : i32
        %dma_start3A_85 = arith.constant 0 : i32
        %dma_start3A_86 = tpu.memref_slice %arg2[%dma_start3A_84, %dma_start3A_85] : memref<10240x128xf32, #tpu.memory_space<hbm>> -> memref<10240x128xf32, #tpu.memory_space<hbm>>
        tpu.enqueue_indirect_dma source(%dma_start3A_86 : memref<10240x128xf32, #tpu.memory_space<hbm>>) target(%arg10 : memref<128x128xf32, #tpu.memory_space<vmem>>) offsets(%dma_start3A_83 : memref<128xi32, #tpu.memory_space<vmem>>) semaphore(%arg13 : memref<!tpu.dma_semaphore, #tpu.memory_space<semaphore_mem>>)
      } else {
      }
    }
    %scan3A_38 = arith.constant 20 : i32
    %barrier3A_39 = arith.constant 0 : index
    tpu.barrier barrier_id(%barrier3A_39)
    %mul3A_40 = arith.constant 640 : i32
    %mul3A_41 = arith.muli %arg1, %mul3A_40 : i32
    %mul3A_42 = arith.constant 640 : i32
    %mul3A_43 = arith.muli %arg1, %mul3A_42 : i32
    "tpu.region"() ({
      %run_scoped3A = tpu.sem_alloc : memref<!tpu.dma_semaphore, #tpu.memory_space<semaphore_mem>>
      %dma_start3A_44 = arith.constant 0 : i32
      %dma_start3A_45 = tpu.memref_slice %arg6[%arg0, %mul3A_43, %dma_start3A_44] : memref<2x10240x128xf32, #tpu.memory_space<hbm>> -> memref<1x640x128xf32, #tpu.memory_space<hbm>>
      %dma_start3A_46 = tpu.memref_squeeze %dma_start3A_45 : memref<1x640x128xf32, #tpu.memory_space<hbm>> -> memref<640x128xf32, #tpu.memory_space<hbm>>
      %dma_start3A_47 = arith.constant 0 : i32
      %dma_start3A_48 = tpu.memref_slice %arg11[%mul3A_41, %dma_start3A_47] : memref<10240x128xf32, #tpu.memory_space<vmem_shared>> -> memref<640x128xf32, #tpu.memory_space<vmem_shared>>
      tpu.enqueue_dma source(%dma_start3A_48 : memref<640x128xf32, #tpu.memory_space<vmem_shared>>) target(%dma_start3A_46 : memref<640x128xf32, #tpu.memory_space<hbm>>) target_semaphore(%run_scoped3A : memref<!tpu.dma_semaphore, #tpu.memory_space<semaphore_mem>>)
      %dma_wait3A = arith.constant 0 : i32
      %dma_wait3A_49 = tpu.memref_slice %arg6[%arg0, %mul3A_43, %dma_wait3A] : memref<2x10240x128xf32, #tpu.memory_space<hbm>> -> memref<1x640x128xf32, #tpu.memory_space<hbm>>
      %dma_wait3A_50 = tpu.memref_squeeze %dma_wait3A_49 : memref<1x640x128xf32, #tpu.memory_space<hbm>> -> memref<640x128xf32, #tpu.memory_space<hbm>>
      %dma_wait3A_51 = arith.constant 0 : i32
      %dma_wait3A_52 = tpu.memref_slice %arg11[%mul3A_41, %dma_wait3A_51] : memref<10240x128xf32, #tpu.memory_space<vmem_shared>> -> memref<640x128xf32, #tpu.memory_space<vmem_shared>>
      tpu.wait_dma2 semaphore(%run_scoped3A : memref<!tpu.dma_semaphore, #tpu.memory_space<semaphore_mem>>) src(%dma_wait3A_52 : memref<640x128xf32, #tpu.memory_space<vmem_shared>>) dst(%dma_wait3A_50 : memref<640x128xf32, #tpu.memory_space<hbm>>)
      tpu.yield
    }) : () -> ()
    return
  }
}

module attributes {stable_mosaic.version = 14 : i64} {
  func.func @_mm_body(%arg0: i32, %arg1: memref<1024x128xf32, #tpu.memory_space<vmem>>, %arg2: memref<128x128xf32, #tpu.memory_space<vmem>>, %arg3: memref<1024x128xf32, #tpu.memory_space<vmem>>) attributes {dimension_semantics = [#tpu.dimension_semantics<arbitrary>], iteration_bounds = array<i64: 10>, scalar_prefetch = 0 : i64, scratch_operands = 0 : i64, tpu.core_type = #tpu.core_type<tc>, window_params = [{transform_indices = @transform_0, window_bounds = array<i64: 1024, 128>}, {pipeline_mode = #tpu.pipeline_mode<synchronous>, transform_indices = @transform_1, window_bounds = array<i64: 128, 128>}, {transform_indices = @transform_2, window_bounds = array<i64: 1024, 128>}]} {
    %get3A = arith.constant 0 : index
    %get3A_0 = arith.constant 0 : index
    %get3A_1 = vector.load %arg1[%get3A, %get3A_0] : memref<1024x128xf32, #tpu.memory_space<vmem>>, vector<1024x128xf32>
    %convert_element_type3A = arith.truncf %get3A_1 : vector<1024x128xf32> to vector<1024x128xbf16>
    %get3A_2 = arith.constant 0 : index
    %get3A_3 = arith.constant 0 : index
    %get3A_4 = vector.load %arg2[%get3A_2, %get3A_3] : memref<128x128xf32, #tpu.memory_space<vmem>>, vector<128x128xf32>
    %convert_element_type3A_5 = arith.truncf %get3A_4 : vector<128x128xf32> to vector<128x128xbf16>
    %dot_general3A = arith.constant dense<0.000000e+00> : vector<1024x128xf32>
    %dot_general3A_6 = tpu.matmul %convert_element_type3A, %convert_element_type3A_5, %dot_general3A {dimension_numbers = #tpu.dot_dimension_numbers<[1], [0], [0], [1], [0, 0, 1, 1], [], []>, transpose_lhs_hint = false} : vector<1024x128xbf16>, vector<128x128xbf16>, vector<1024x128xf32> -> vector<1024x128xf32>
    %swap3A = arith.constant 0 : index
    %swap3A_7 = arith.constant 0 : index
    %swap3A_8 = vector.load %arg3[%swap3A, %swap3A_7] : memref<1024x128xf32, #tpu.memory_space<vmem>>, vector<1024x128xf32>
    tpu.vector_store %arg3[%swap3A, %swap3A_7], %dot_general3A_6 {strides = array<i32>} : memref<1024x128xf32, #tpu.memory_space<vmem>>, vector<1024x128xf32>,
    return
  }
  func.func @transform_0(%arg0: i32) -> (i32, i32) {
    %c0_i32 = arith.constant 0 : i32
    %c0_i32_0 = arith.constant 0 : i32
    return %arg0, %c0_i32 : i32, i32
  }
  func.func @transform_1(%arg0: i32) -> (i32, i32) {
    %c0_i32 = arith.constant 0 : i32
    %c0_i32_0 = arith.constant 0 : i32
    %c0_i32_1 = arith.constant 0 : i32
    return %c0_i32, %c0_i32_0 : i32, i32
  }
  func.func @transform_2(%arg0: i32) -> (i32, i32) {
    %c0_i32 = arith.constant 0 : i32
    %c0_i32_0 = arith.constant 0 : i32
    return %arg0, %c0_i32 : i32, i32
  }
}

module attributes {stable_mosaic.version = 14 : i64} {
  func.func @_scale_body(%arg0: i32, %arg1: memref<32x1024xf32, #tpu.memory_space<vmem>>, %arg2: memref<1024x128xf32, #tpu.memory_space<vmem>>, %arg3: memref<1024x128xf32, #tpu.memory_space<vmem>>) attributes {dimension_semantics = [#tpu.dimension_semantics<arbitrary>], iteration_bounds = array<i64: 10>, scalar_prefetch = 0 : i64, scratch_operands = 0 : i64, tpu.core_type = #tpu.core_type<tc>, window_params = [{transform_indices = @transform_0, window_bounds = array<i64: 32, 1024>}, {transform_indices = @transform_1, window_bounds = array<i64: 1024, 128>}, {transform_indices = @transform_2, window_bounds = array<i64: 1024, 128>}]} {
    %get3A = arith.constant 0 : index
    %get3A_0 = arith.constant 0 : index
    %get3A_1 = vector.load %arg1[%get3A, %get3A_0] : memref<32x1024xf32, #tpu.memory_space<vmem>>, vector<32x1024xf32>
    %reduce_sum3A = arith.constant dense<0.000000e+00> : vector<1024xf32>
    %reduce_sum3A_2 = vector.multi_reduction <add>, %get3A_1, %reduce_sum3A [0] : vector<32x1024xf32> to vector<1024xf32>
    %add3A = arith.constant 1.000000e+00 : f32
    %add3A_3 = vector.broadcast %add3A : f32 to vector<1024xf32>
    %add3A_4 = arith.addf %reduce_sum3A_2, %add3A_3 : vector<1024xf32>
    %sqrt3A = math.sqrt %add3A_4 : vector<1024xf32>
    %div3A = arith.constant 1.000000e+00 : f32
    %div3A_5 = vector.broadcast %div3A : f32 to vector<1024xf32>
    %div3A_6 = arith.divf %div3A_5, %sqrt3A : vector<1024xf32>
    %broadcast_in_dim3A = vector.shape_cast %div3A_6 : vector<1024xf32> to vector<1024x1xf32>
    %get3A_7 = arith.constant 0 : index
    %get3A_8 = arith.constant 0 : index
    %get3A_9 = vector.load %arg2[%get3A_7, %get3A_8] : memref<1024x128xf32, #tpu.memory_space<vmem>>, vector<1024x128xf32>
    %mul3A = vector.broadcast %broadcast_in_dim3A : vector<1024x1xf32> to vector<1024x128xf32>
    %mul3A_10 = arith.mulf %mul3A, %get3A_9 : vector<1024x128xf32>
    %swap3A = arith.constant 0 : index
    %swap3A_11 = arith.constant 0 : index
    %swap3A_12 = vector.load %arg3[%swap3A, %swap3A_11] : memref<1024x128xf32, #tpu.memory_space<vmem>>, vector<1024x128xf32>
    tpu.vector_store %arg3[%swap3A, %swap3A_11], %mul3A_10 {strides = array<i32>} : memref<1024x128xf32, #tpu.memory_space<vmem>>, vector<1024x128xf32>,
    return
  }
  func.func @transform_0(%arg0: i32) -> (i32, i32) {
    %c0_i32 = arith.constant 0 : i32
    %c0_i32_0 = arith.constant 0 : i32
    return %c0_i32, %arg0 : i32, i32
  }
  func.func @transform_1(%arg0: i32) -> (i32, i32) {
    %c0_i32 = arith.constant 0 : i32
    %c0_i32_0 = arith.constant 0 : i32
    return %arg0, %c0_i32 : i32, i32
  }
  func.func @transform_2(%arg0: i32) -> (i32, i32) {
    %c0_i32 = arith.constant 0 : i32
    %c0_i32_0 = arith.constant 0 : i32
    return %arg0, %c0_i32 : i32, i32
  }
}

module attributes {stable_mosaic.version = 14 : i64} {
  func.func @_layer_body(%arg0: i32, %arg1: memref<32x1024xf32, #tpu.memory_space<vmem>>, %arg2: memref<2x1024x128xf32, #tpu.memory_space<vmem>>, %arg3: memref<1024x128xf32, #tpu.memory_space<vmem>>, %arg4: memref<1x128xf32, #tpu.memory_space<vmem>>, %arg5: memref<128x128xf32, #tpu.memory_space<vmem>>, %arg6: memref<1024x128xf32, #tpu.memory_space<vmem>>) attributes {dimension_semantics = [#tpu.dimension_semantics<arbitrary>], iteration_bounds = array<i64: 10>, scalar_prefetch = 0 : i64, scratch_operands = 0 : i64, tpu.core_type = #tpu.core_type<tc>, window_params = [{transform_indices = @transform_0, window_bounds = array<i64: 32, 1024>}, {transform_indices = @transform_1, window_bounds = array<i64: 2, 1024, 128>}, {transform_indices = @transform_2, window_bounds = array<i64: 1024, 128>}, {pipeline_mode = #tpu.pipeline_mode<synchronous>, transform_indices = @transform_3, window_bounds = array<i64: 1, 128>}, {pipeline_mode = #tpu.pipeline_mode<synchronous>, transform_indices = @transform_4, window_bounds = array<i64: 128, 128>}, {transform_indices = @transform_5, window_bounds = array<i64: 1024, 128>}]} {
    %get3A = arith.constant 0 : index
    %get3A_0 = arith.constant 0 : index
    %get3A_1 = vector.load %arg1[%get3A, %get3A_0] : memref<32x1024xf32, #tpu.memory_space<vmem>>, vector<32x1024xf32>
    %reduce_sum3A = arith.constant dense<0.000000e+00> : vector<1024xf32>
    %reduce_sum3A_2 = vector.multi_reduction <add>, %get3A_1, %reduce_sum3A [0] : vector<32x1024xf32> to vector<1024xf32>
    %add3A = arith.constant 1.000000e+00 : f32
    %add3A_3 = vector.broadcast %add3A : f32 to vector<1024xf32>
    %add3A_4 = arith.addf %reduce_sum3A_2, %add3A_3 : vector<1024xf32>
    %sqrt3A = math.sqrt %add3A_4 : vector<1024xf32>
    %div3A = arith.constant 1.000000e+00 : f32
    %div3A_5 = vector.broadcast %div3A : f32 to vector<1024xf32>
    %div3A_6 = arith.divf %div3A_5, %sqrt3A : vector<1024xf32>
    %broadcast_in_dim3A = vector.shape_cast %div3A_6 : vector<1024xf32> to vector<1024x1xf32>
    %get3A_7 = arith.constant 0 : index
    %get3A_8 = arith.constant 0 : index
    %get3A_9 = arith.constant 0 : index
    %get3A_10 = vector.load %arg2[%get3A_7, %get3A_8, %get3A_9] : memref<2x1024x128xf32, #tpu.memory_space<vmem>>, vector<1x1024x128xf32>
    %get3A_11 = vector.shape_cast %get3A_10 : vector<1x1024x128xf32> to vector<1024x128xf32>
    %get3A_12 = arith.constant 1 : index
    %get3A_13 = arith.constant 0 : index
    %get3A_14 = arith.constant 0 : index
    %get3A_15 = vector.load %arg2[%get3A_12, %get3A_13, %get3A_14] : memref<2x1024x128xf32, #tpu.memory_space<vmem>>, vector<1x1024x128xf32>
    %get3A_16 = vector.shape_cast %get3A_15 : vector<1x1024x128xf32> to vector<1024x128xf32>
    %add3A_17 = arith.addf %get3A_11, %get3A_16 : vector<1024x128xf32>
    %get3A_18 = arith.constant 0 : index
    %get3A_19 = arith.constant 0 : index
    %get3A_20 = vector.load %arg3[%get3A_18, %get3A_19] : memref<1024x128xf32, #tpu.memory_space<vmem>>, vector<1024x128xf32>
    %add3A_21 = arith.addf %add3A_17, %get3A_20 : vector<1024x128xf32>
    %mul3A = vector.broadcast %broadcast_in_dim3A : vector<1024x1xf32> to vector<1024x128xf32>
    %mul3A_22 = arith.mulf %mul3A, %add3A_21 : vector<1024x128xf32>
    %get3A_23 = arith.constant 0 : index
    %get3A_24 = arith.constant 0 : index
    %get3A_25 = vector.load %arg4[%get3A_23, %get3A_24] : memref<1x128xf32, #tpu.memory_space<vmem>>, vector<1x128xf32>
    %add3A_26 = vector.broadcast %get3A_25 : vector<1x128xf32> to vector<1024x128xf32>
    %add3A_27 = arith.addf %mul3A_22, %add3A_26 : vector<1024x128xf32>
    %max3A = arith.constant 0.000000e+00 : f32
    %max3A_28 = vector.broadcast %max3A : f32 to vector<1024x128xf32>
    %max3A_29 = arith.maximumf %add3A_27, %max3A_28 : vector<1024x128xf32>
    %convert_element_type3A = arith.truncf %max3A_29 : vector<1024x128xf32> to vector<1024x128xbf16>
    %get3A_30 = arith.constant 0 : index
    %get3A_31 = arith.constant 0 : index
    %get3A_32 = vector.load %arg5[%get3A_30, %get3A_31] : memref<128x128xf32, #tpu.memory_space<vmem>>, vector<128x128xf32>
    %convert_element_type3A_33 = arith.truncf %get3A_32 : vector<128x128xf32> to vector<128x128xbf16>
    %dot_general3A = arith.constant dense<0.000000e+00> : vector<1024x128xf32>
    %dot_general3A_34 = tpu.matmul %convert_element_type3A, %convert_element_type3A_33, %dot_general3A {dimension_numbers = #tpu.dot_dimension_numbers<[1], [0], [0], [1], [0, 0, 1, 1], [], []>, transpose_lhs_hint = false} : vector<1024x128xbf16>, vector<128x128xbf16>, vector<1024x128xf32> -> vector<1024x128xf32>
    %mul3A_35 = vector.broadcast %broadcast_in_dim3A : vector<1024x1xf32> to vector<1024x128xf32>
    %mul3A_36 = arith.mulf %mul3A_35, %dot_general3A_34 : vector<1024x128xf32>
    %swap3A = arith.constant 0 : index
    %swap3A_37 = arith.constant 0 : index
    %swap3A_38 = vector.load %arg6[%swap3A, %swap3A_37] : memref<1024x128xf32, #tpu.memory_space<vmem>>, vector<1024x128xf32>
    tpu.vector_store %arg6[%swap3A, %swap3A_37], %mul3A_36 {strides = array<i32>} : memref<1024x128xf32, #tpu.memory_space<vmem>>, vector<1024x128xf32>,
    return
  }
  func.func @transform_0(%arg0: i32) -> (i32, i32) {
    %c0_i32 = arith.constant 0 : i32
    %c0_i32_0 = arith.constant 0 : i32
    return %c0_i32, %arg0 : i32, i32
  }
  func.func @transform_1(%arg0: i32) -> (i32, i32, i32) {
    %c0_i32 = arith.constant 0 : i32
    %c0_i32_0 = arith.constant 0 : i32
    %c0_i32_1 = arith.constant 0 : i32
    return %c0_i32, %arg0, %c0_i32_0 : i32, i32, i32
  }
  func.func @transform_2(%arg0: i32) -> (i32, i32) {
    %c0_i32 = arith.constant 0 : i32
    %c0_i32_0 = arith.constant 0 : i32
    return %arg0, %c0_i32 : i32, i32
  }
  func.func @transform_3(%arg0: i32) -> (i32, i32) {
    %c0_i32 = arith.constant 0 : i32
    %c0_i32_0 = arith.constant 0 : i32
    %c0_i32_1 = arith.constant 0 : i32
    return %c0_i32, %c0_i32_0 : i32, i32
  }
  func.func @transform_4(%arg0: i32) -> (i32, i32) {
    %c0_i32 = arith.constant 0 : i32
    %c0_i32_0 = arith.constant 0 : i32
    %c0_i32_1 = arith.constant 0 : i32
    return %c0_i32, %c0_i32_0 : i32, i32
  }
  func.func @transform_5(%arg0: i32) -> (i32, i32) {
    %c0_i32 = arith.constant 0 : i32
    %c0_i32_0 = arith.constant 0 : i32
    return %arg0, %c0_i32 : i32, i32
  }
}

module attributes {stable_mosaic.version = 14 : i64} {
  func.func @_pool_body(%arg0: i32, %arg1: memref<32x1024xf32, #tpu.memory_space<vmem>>, %arg2: memref<2x1024x128xf32, #tpu.memory_space<vmem>>, %arg3: memref<1024x128xf32, #tpu.memory_space<vmem>>, %arg4: memref<1x1x1024xi32, #tpu.memory_space<vmem>>, %arg5: memref<1x128xf32, #tpu.memory_space<vmem>>, %arg6: memref<128x128xf32, #tpu.memory_space<vmem>>, %arg7: memref<1x128xf32, #tpu.memory_space<vmem>>, %arg8: memref<64x128xf32, #tpu.memory_space<vmem>>, %arg9: memref<64x128xf32, #tpu.memory_space<vmem>>, %arg10: memref<64x128xf32, #tpu.memory_space<vmem>>, %arg11: memref<64x128xf32, #tpu.memory_space<vmem>>) attributes {dimension_semantics = [#tpu.dimension_semantics<arbitrary>], iteration_bounds = array<i64: 10>, scalar_prefetch = 0 : i64, scratch_operands = 2 : i64, tpu.core_type = #tpu.core_type<tc>, window_params = [{transform_indices = @transform_0, window_bounds = array<i64: 32, 1024>}, {transform_indices = @transform_1, window_bounds = array<i64: 2, 1024, 128>}, {transform_indices = @transform_2, window_bounds = array<i64: 1024, 128>}, {transform_indices = @transform_3, window_bounds = array<i64: 1, 1, 1024>}, {pipeline_mode = #tpu.pipeline_mode<synchronous>, transform_indices = @transform_4, window_bounds = array<i64: 1, 128>}, {pipeline_mode = #tpu.pipeline_mode<synchronous>, transform_indices = @transform_5, window_bounds = array<i64: 128, 128>}, {pipeline_mode = #tpu.pipeline_mode<synchronous>, transform_indices = @transform_6, window_bounds = array<i64: 1, 128>}, {pipeline_mode = #tpu.pipeline_mode<synchronous>, transform_indices = @transform_7, window_bounds = array<i64: 64, 128>}, {pipeline_mode = #tpu.pipeline_mode<synchronous>, transform_indices = @transform_8, window_bounds = array<i64: 64, 128>}]} {
    %eq3A = arith.constant 0 : i32
    %eq3A_0 = arith.cmpi eq, %arg0, %eq3A : i32
    %convert_element_type3A = arith.extui %eq3A_0 : i1 to i32
    %cond3A = arith.constant 0 : i32
    %cond3A_1 = arith.cmpi ne, %convert_element_type3A, %cond3A : i32
    scf.if %cond3A_1 {
      %broadcast_in_dim3A_59 = arith.constant 0.000000e+00 : f32
      %broadcast_in_dim3A_60 = vector.broadcast %broadcast_in_dim3A_59 : f32 to vector<64x128xf32>
      %swap3A_61 = arith.constant 0 : index
      %swap3A_62 = arith.constant 0 : index
      %swap3A_63 = vector.load %arg10[%swap3A_61, %swap3A_62] : memref<64x128xf32, #tpu.memory_space<vmem>>, vector<64x128xf32>
      tpu.vector_store %arg10[%swap3A_61, %swap3A_62], %broadcast_in_dim3A_60 {strides = array<i32>} : memref<64x128xf32, #tpu.memory_space<vmem>>, vector<64x128xf32>,
      %broadcast_in_dim3A_64 = arith.constant 0.000000e+00 : f32
      %broadcast_in_dim3A_65 = vector.broadcast %broadcast_in_dim3A_64 : f32 to vector<64x128xf32>
      %swap3A_66 = arith.constant 0 : index
      %swap3A_67 = arith.constant 0 : index
      %swap3A_68 = vector.load %arg11[%swap3A_66, %swap3A_67] : memref<64x128xf32, #tpu.memory_space<vmem>>, vector<64x128xf32>
      tpu.vector_store %arg11[%swap3A_66, %swap3A_67], %broadcast_in_dim3A_65 {strides = array<i32>} : memref<64x128xf32, #tpu.memory_space<vmem>>, vector<64x128xf32>,
    } else {
    }
    %get3A = arith.constant 0 : index
    %get3A_2 = arith.constant 0 : index
    %get3A_3 = vector.load %arg1[%get3A, %get3A_2] : memref<32x1024xf32, #tpu.memory_space<vmem>>, vector<32x1024xf32>
    %reduce_sum3A = arith.constant dense<0.000000e+00> : vector<1024xf32>
    %reduce_sum3A_4 = vector.multi_reduction <add>, %get3A_3, %reduce_sum3A [0] : vector<32x1024xf32> to vector<1024xf32>
    %add3A = arith.constant 1.000000e+00 : f32
    %add3A_5 = vector.broadcast %add3A : f32 to vector<1024xf32>
    %add3A_6 = arith.addf %reduce_sum3A_4, %add3A_5 : vector<1024xf32>
    %sqrt3A = math.sqrt %add3A_6 : vector<1024xf32>
    %div3A = arith.constant 1.000000e+00 : f32
    %div3A_7 = vector.broadcast %div3A : f32 to vector<1024xf32>
    %div3A_8 = arith.divf %div3A_7, %sqrt3A : vector<1024xf32>
    %broadcast_in_dim3A = vector.shape_cast %div3A_8 : vector<1024xf32> to vector<1024x1xf32>
    %get3A_9 = arith.constant 0 : index
    %get3A_10 = arith.constant 0 : index
    %get3A_11 = arith.constant 0 : index
    %get3A_12 = vector.load %arg2[%get3A_9, %get3A_10, %get3A_11] : memref<2x1024x128xf32, #tpu.memory_space<vmem>>, vector<1x1024x128xf32>
    %get3A_13 = vector.shape_cast %get3A_12 : vector<1x1024x128xf32> to vector<1024x128xf32>
    %get3A_14 = arith.constant 1 : index
    %get3A_15 = arith.constant 0 : index
    %get3A_16 = arith.constant 0 : index
    %get3A_17 = vector.load %arg2[%get3A_14, %get3A_15, %get3A_16] : memref<2x1024x128xf32, #tpu.memory_space<vmem>>, vector<1x1024x128xf32>
    %get3A_18 = vector.shape_cast %get3A_17 : vector<1x1024x128xf32> to vector<1024x128xf32>
    %add3A_19 = arith.addf %get3A_13, %get3A_18 : vector<1024x128xf32>
    %get3A_20 = arith.constant 0 : index
    %get3A_21 = arith.constant 0 : index
    %get3A_22 = vector.load %arg3[%get3A_20, %get3A_21] : memref<1024x128xf32, #tpu.memory_space<vmem>>, vector<1024x128xf32>
    %add3A_23 = arith.addf %add3A_19, %get3A_22 : vector<1024x128xf32>
    %mul3A = vector.broadcast %broadcast_in_dim3A : vector<1024x1xf32> to vector<1024x128xf32>
    %mul3A_24 = arith.mulf %mul3A, %add3A_23 : vector<1024x128xf32>
    %get3A_25 = arith.constant 0 : index
    %get3A_26 = arith.constant 0 : index
    %get3A_27 = arith.constant 0 : index
    %get3A_28 = vector.load %arg4[%get3A_25, %get3A_26, %get3A_27] : memref<1x1x1024xi32, #tpu.memory_space<vmem>>, vector<1x1x1024xi32>
    %get3A_29 = vector.shape_cast %get3A_28 : vector<1x1x1024xi32> to vector<1024xi32>
    %iota3A = tpu.iota {dimensions = array<i32: 0>} : vector<64x1024xi32>
    %broadcast_in_dim3A_30 = vector.shape_cast %get3A_29 : vector<1024xi32> to vector<1x1024xi32>
    %eq3A_31 = vector.broadcast %broadcast_in_dim3A_30 : vector<1x1024xi32> to vector<64x1024xi32>
    %eq3A_32 = arith.cmpi eq, %eq3A_31, %iota3A : vector<64x1024xi32>
    %convert_element_type3A_33 = arith.extui %eq3A_32 : vector<64x1024xi1> to vector<64x1024xi32>
    %convert_element_type3A_34 = arith.sitofp %convert_element_type3A_33 : vector<64x1024xi32> to vector<64x1024xf32>
    %get3A_35 = arith.constant 0 : index
    %get3A_36 = arith.constant 0 : index
    %get3A_37 = vector.load %arg10[%get3A_35, %get3A_36] : memref<64x128xf32, #tpu.memory_space<vmem>>, vector<64x128xf32>
    %dot_general3A = arith.constant dense<0.000000e+00> : vector<64x128xf32>
    %dot_general3A_38 = tpu.matmul %convert_element_type3A_34, %mul3A_24, %dot_general3A {dimension_numbers = #tpu.dot_dimension_numbers<[1], [0], [0], [1], [0, 0, 1, 1], [], []>, precision = #tpu.contract_precision<fp32>, transpose_lhs_hint = false} : vector<64x1024xf32>, vector<1024x128xf32>, vector<64x128xf32> -> vector<64x128xf32>
    %add3A_39 = arith.addf %get3A_37, %dot_general3A_38 : vector<64x128xf32>
    %swap3A = arith.constant 0 : index
    %swap3A_40 = arith.constant 0 : index
    %swap3A_41 = vector.load %arg10[%swap3A, %swap3A_40] : memref<64x128xf32, #tpu.memory_space<vmem>>, vector<64x128xf32>
    tpu.vector_store %arg10[%swap3A, %swap3A_40], %add3A_39 {strides = array<i32>} : memref<64x128xf32, #tpu.memory_space<vmem>>, vector<64x128xf32>,
    %reduce_sum3A_42 = arith.constant dense<0.000000e+00> : vector<64xf32>
    %reduce_sum3A_43 = vector.multi_reduction <add>, %convert_element_type3A_34, %reduce_sum3A_42 [1] : vector<64x1024xf32> to vector<64xf32>
    %broadcast_in_dim3A_44 = vector.shape_cast %reduce_sum3A_43 : vector<64xf32> to vector<64x1xf32>
    %get3A_45 = arith.constant 0 : index
    %get3A_46 = arith.constant 0 : index
    %get3A_47 = vector.load %arg11[%get3A_45, %get3A_46] : memref<64x128xf32, #tpu.memory_space<vmem>>, vector<64x128xf32>
    %broadcast_in_dim3A_48 = vector.shape_cast %broadcast_in_dim3A_44 : vector<64x1xf32> to vector<64x1xf32>
    %broadcast_in_dim3A_49 = vector.broadcast %broadcast_in_dim3A_48 : vector<64x1xf32> to vector<64x128xf32>
    %add3A_50 = arith.addf %get3A_47, %broadcast_in_dim3A_49 : vector<64x128xf32>
    %swap3A_51 = arith.constant 0 : index
    %swap3A_52 = arith.constant 0 : index
    %swap3A_53 = vector.load %arg11[%swap3A_51, %swap3A_52] : memref<64x128xf32, #tpu.memory_space<vmem>>, vector<64x128xf32>
    tpu.vector_store %arg11[%swap3A_51, %swap3A_52], %add3A_50 {strides = array<i32>} : memref<64x128xf32, #tpu.memory_space<vmem>>, vector<64x128xf32>,
    %eq3A_54 = arith.constant 9 : i32
    %eq3A_55 = arith.cmpi eq, %arg0, %eq3A_54 : i32
    %convert_element_type3A_56 = arith.extui %eq3A_55 : i1 to i32
    %cond3A_57 = arith.constant 0 : i32
    %cond3A_58 = arith.cmpi ne, %convert_element_type3A_56, %cond3A_57 : i32
    scf.if %cond3A_58 {
      %get3A_59 = arith.constant 0 : index
      %get3A_60 = arith.constant 0 : index
      %get3A_61 = vector.load %arg10[%get3A_59, %get3A_60] : memref<64x128xf32, #tpu.memory_space<vmem>>, vector<64x128xf32>
      %get3A_62 = arith.constant 0 : index
      %get3A_63 = arith.constant 0 : index
      %get3A_64 = vector.load %arg11[%get3A_62, %get3A_63] : memref<64x128xf32, #tpu.memory_space<vmem>>, vector<64x128xf32>
      %max3A = arith.constant 1.000000e+00 : f32
      %max3A_65 = vector.broadcast %max3A : f32 to vector<64x128xf32>
      %max3A_66 = arith.maximumf %get3A_64, %max3A_65 : vector<64x128xf32>
      %div3A_67 = arith.divf %get3A_61, %max3A_66 : vector<64x128xf32>
      %get3A_68 = arith.constant 0 : index
      %get3A_69 = arith.constant 0 : index
      %get3A_70 = vector.load %arg5[%get3A_68, %get3A_69] : memref<1x128xf32, #tpu.memory_space<vmem>>, vector<1x128xf32>
      %add3A_71 = vector.broadcast %get3A_70 : vector<1x128xf32> to vector<64x128xf32>
      %add3A_72 = arith.addf %div3A_67, %add3A_71 : vector<64x128xf32>
      %swap3A_73 = arith.constant 0 : index
      %swap3A_74 = arith.constant 0 : index
      %swap3A_75 = vector.load %arg8[%swap3A_73, %swap3A_74] : memref<64x128xf32, #tpu.memory_space<vmem>>, vector<64x128xf32>
      tpu.vector_store %arg8[%swap3A_73, %swap3A_74], %add3A_72 {strides = array<i32>} : memref<64x128xf32, #tpu.memory_space<vmem>>, vector<64x128xf32>,
      %convert_element_type3A_76 = arith.truncf %add3A_72 : vector<64x128xf32> to vector<64x128xbf16>
      %get3A_77 = arith.constant 0 : index
      %get3A_78 = arith.constant 0 : index
      %get3A_79 = vector.load %arg6[%get3A_77, %get3A_78] : memref<128x128xf32, #tpu.memory_space<vmem>>, vector<128x128xf32>
      %convert_element_type3A_80 = arith.truncf %get3A_79 : vector<128x128xf32> to vector<128x128xbf16>
      %dot_general3A_81 = arith.constant dense<0.000000e+00> : vector<64x128xf32>
      %dot_general3A_82 = tpu.matmul %convert_element_type3A_76, %convert_element_type3A_80, %dot_general3A_81 {dimension_numbers = #tpu.dot_dimension_numbers<[1], [0], [0], [1], [0, 0, 1, 1], [], []>, transpose_lhs_hint = false} : vector<64x128xbf16>, vector<128x128xbf16>, vector<64x128xf32> -> vector<64x128xf32>
      %get3A_83 = arith.constant 0 : index
      %get3A_84 = arith.constant 0 : index
      %get3A_85 = vector.load %arg7[%get3A_83, %get3A_84] : memref<1x128xf32, #tpu.memory_space<vmem>>, vector<1x128xf32>
      %add3A_86 = vector.broadcast %get3A_85 : vector<1x128xf32> to vector<64x128xf32>
      %add3A_87 = arith.addf %dot_general3A_82, %add3A_86 : vector<64x128xf32>
      %swap3A_88 = arith.constant 0 : index
      %swap3A_89 = arith.constant 0 : index
      %swap3A_90 = vector.load %arg9[%swap3A_88, %swap3A_89] : memref<64x128xf32, #tpu.memory_space<vmem>>, vector<64x128xf32>
      tpu.vector_store %arg9[%swap3A_88, %swap3A_89], %add3A_87 {strides = array<i32>} : memref<64x128xf32, #tpu.memory_space<vmem>>, vector<64x128xf32>,
    } else {
    }
    return
  }
  func.func @transform_0(%arg0: i32) -> (i32, i32) {
    %c0_i32 = arith.constant 0 : i32
    %c0_i32_0 = arith.constant 0 : i32
    return %c0_i32, %arg0 : i32, i32
  }
  func.func @transform_1(%arg0: i32) -> (i32, i32, i32) {
    %c0_i32 = arith.constant 0 : i32
    %c0_i32_0 = arith.constant 0 : i32
    %c0_i32_1 = arith.constant 0 : i32
    return %c0_i32, %arg0, %c0_i32_0 : i32, i32, i32
  }
  func.func @transform_2(%arg0: i32) -> (i32, i32) {
    %c0_i32 = arith.constant 0 : i32
    %c0_i32_0 = arith.constant 0 : i32
    return %arg0, %c0_i32 : i32, i32
  }
  func.func @transform_3(%arg0: i32) -> (i32, i32, i32) {
    %c0_i32 = arith.constant 0 : i32
    %c0_i32_0 = arith.constant 0 : i32
    %c0_i32_1 = arith.constant 0 : i32
    return %arg0, %c0_i32, %c0_i32_0 : i32, i32, i32
  }
  func.func @transform_4(%arg0: i32) -> (i32, i32) {
    %c0_i32 = arith.constant 0 : i32
    %c0_i32_0 = arith.constant 0 : i32
    %c0_i32_1 = arith.constant 0 : i32
    return %c0_i32, %c0_i32_0 : i32, i32
  }
  func.func @transform_5(%arg0: i32) -> (i32, i32) {
    %c0_i32 = arith.constant 0 : i32
    %c0_i32_0 = arith.constant 0 : i32
    %c0_i32_1 = arith.constant 0 : i32
    return %c0_i32, %c0_i32_0 : i32, i32
  }
  func.func @transform_6(%arg0: i32) -> (i32, i32) {
    %c0_i32 = arith.constant 0 : i32
    %c0_i32_0 = arith.constant 0 : i32
    %c0_i32_1 = arith.constant 0 : i32
    return %c0_i32, %c0_i32_0 : i32, i32
  }
  func.func @transform_7(%arg0: i32) -> (i32, i32) {
    %c0_i32 = arith.constant 0 : i32
    %c0_i32_0 = arith.constant 0 : i32
    %c0_i32_1 = arith.constant 0 : i32
    return %c0_i32, %c0_i32_0 : i32, i32
  }
  func.func @transform_8(%arg0: i32) -> (i32, i32) {
    %c0_i32 = arith.constant 0 : i32
    %c0_i32_0 = arith.constant 0 : i32
    %c0_i32_1 = arith.constant 0 : i32
    return %c0_i32, %c0_i32_0 : i32, i32
  }
}

</mosaic_0001>

<sc_bundles>
// kernel: kernel.12.cloned.1.call-start
scs
__scs_entry_jumppad:
0x0: {  	(pc) =	sbr.rel $0x88, $3  }
0x1: {  	(tag) =	ssettag $0x0;
	lr =	simm.s32 $0x1  }
0x2: {  	[smem:$0x3F98] =	sst lr;
	_ =	strace $0xD0000000  }
0x3: {  	_ = 	snop  }
0x4: {  	_ = 	snop  }
0x5: {  	_ = 	snop  }
0x6: {  	_ = 	snop  }
0x7: {  	_ = 	snop  }
__scs_overlays_trampoline_lowered:
0x8: {  	[smem:$0x3FA7] =	sst s0  }
0x9: {  	[smem:$0x3FA8] =	sst s1  }
0xa: {  	[smem:$0x3FA9] =	sst s2  }
0xb: {  	[smem:$0x3FAA] =	sst s3  }
0xc: {  	[smem:$0x3FAB] =	sst s4  }
0xd: {  	[smem:$0x3FAC] =	sst s5  }
0xe: {  	[smem:$0x3FAD] =	sst s6  }
0xf: {  	[smem:$0x3FAE] =	sst s7  }
0x10: {  	[smem:$0x3FAF] =	sst s8  }
0x11: {  	[smem:$0x3FB0] =	sst s9;
	s0 =	simm.s32 @!p0 $0x0  }
0x12: {  	s1 =	sld [smem:$0x3F96];
	s0 =	simm.s32 @p0 $0x1  }
0x13: {  	[smem:$0x3FB1] =	sst s0;
	s0 =	simm.s32 @!p1 $0x0  }
0x14: {  	s2 =	sld [smem:$0x3F95];
	s0 =	simm.s32 @p1 $0x1  }
0x15: {  	[smem:$0x3FB2] =	sst s0;
	s0 =	simm.s32 @!p2 $0x0  }
0x16: {  	s3 =	sld [smem:$0x3FDB];
	s0 =	simm.s32 @p2 $0x1  }
0x17: {  	s4 =	simm.s32 $0x1BF5;
	[smem:$0x3FB4] =	sst s0  }
0x18: {  	s0 =	sld [smem:$0x3F97];
	_ =	swait.ge [sflag:s4], $0x0  }
0x19: {  	s7 =	sld [smem:$0x3F98]  }
0x1a: {  	s8 =	sadd.s32 $0xFFFFE003, lr  }
0x1b: {  	s9 =	sadd.s32 $0xFFFFFEF7, lr;
	s5 =	simm.s32 $0xFFFFFFFF;
	p2 =	slt.u32 s8, $0xFFFFF086  }
0x1c: {  	p1 =	slt.u32 s9, $0xF7A;
	s5 =	simm.s32 @!p2 $0x0  }
0x1d: {  	s5 =	simm.s32 @p1 $0x1;
	p0 =	seq.s32 s7, s2  }
0x1e: {  	s7 =	smul.u32 @!p0 $0xF7A, s2;
	p2 =	seq.s32 @!p0 s5, $0x0  }
0x1f: {  	s9 =	smul.u32 $0xF7A, s1;
	s8 =	simm.s32 @!p0 $0x1BF5;
	p2 =	por !p2, p0  }
0x20: {  	[sflag:s8] =	ssyncset.s32 @!p0 $0xFFFFF086;
	s6 =	sadd.s32 @!p0 s3, s7;
	s7 =	simm.s32 @!p0 $0x108  }
0x21: {  	s3 =	sadd.s32 s3, s9;
	s6 =	sadd.s32 @!p0 $0x88, s6;
	s7 =	simm.s32 @p2 $0x1082  }
0x22: {  	[simem:s7], [sflag:s8] =	dma.local @!p0 [hbm:s6], $0xF7A  }
0x23: {  	s9 =	sor.u32 $0xD0000000, s2;
	s6 =	simm.s32 $0x108;
	_ =	swait.ge @!p0 [sflag:s8], $0x0  }
0x24: {  	s3 =	sadd.s32 $0x88, s3;
	s6 =	simm.s32 @!p1 $0x1082;
	[sflag:s4] =	ssyncset.s32 $0xFFFFF086  }
0x25: {  	[simem:s6], [sflag:s4] =	dma.local [hbm:s3], $0xF7A  }
0x26: {  	[smem:$0x3F98] =	sst s1;
	(tag) =	ssettag s2;
	_ =	strace s9  }
0x27: {  	s1 =	sld [smem:$0x3FA8]  }
0x28: {  	s2 =	sld [smem:$0x3FA9]  }
0x29: {  	s4 =	sld [smem:$0x3FAB]  }
0x2a: {  	p0 =	seq.s32 s5, $0x0;
	s5 =	sld [smem:$0x3FAC]  }
0x2b: {  	s6 =	sld [smem:$0x3FAD]  }
0x2c: {  	s7 =	sld [smem:$0x3FAE]  }
0x2d: {  	s3 =	simm.s32 $0x108;
	s8 =	sld [smem:$0x3FAF]  }
0x2e: {  	s3 =	simm.s32 @!p0 $0x1082;
	s9 =	sld [smem:$0x3FB0]  }
0x2f: {  	lr =	sadd.s32 s0, s3;
	s0 =	sld [smem:$0x3FA7]  }
0x30: {  	s3 =	sld [smem:$0x3FAA]  }
0x31: {  	[smem:$0x3FB3] =	sst s10  }
0x32: {  	s10 =	sld [smem:$0x3FB1];
	_ =	sdelay $0x3  }
0x33: {  	p0 =	seq.s32 s10, $0x1;
	s10 =	sld [smem:$0x3FB3];
	_ =	sdelay $0x3  }
0x34: {  	[smem:$0x3FB3] =	sst s10  }
0x35: {  	s10 =	sld [smem:$0x3FB2];
	_ =	sdelay $0x3  }
0x36: {  	p1 =	seq.s32 s10, $0x1;
	s10 =	sld [smem:$0x3FB3];
	_ =	sdelay $0x3  }
0x37: {  	[smem:$0x3FB3] =	sst s10  }
0x38: {  	s10 =	sld [smem:$0x3FB4]  }
0x39: {  	_ = 	snop;
	(pc) =	sbr.ind lr, $3  }
0x3a: {  	_ = 	snop  }
0x3b: {  	_ = 	snop  }
0x3c: {  	p2 =	seq.s32 s10, $0x1;
	s10 =	sld [smem:$0x3FB3]  }
0x3d: {  	_ =	shalt  }
0x3e: {  	_ =	shalt  }
0x3f: {  	_ =	shalt  }
0x40: {  	_ =	shalt  }
0x41: {  	_ =	shalt  }
0x42: {  	_ =	shalt  }
0x43: {  	_ =	shalt  }
0x44: {  	_ =	shalt  }
0x45: {  	_ =	shalt  }
0x46: {  	_ =	shalt  }
0x47: {  	_ =	shalt  }
0x48: {  	_ =	shalt  }
0x49: {  	_ =	shalt  }
0x4a: {  	_ =	shalt  }
0x4b: {  	_ =	shalt  }
0x4c: {  	_ =	shalt  }
0x4d: {  	_ =	shalt  }
0x4e: {  	_ =	shalt  }
0x4f: {  	_ =	shalt  }
0x50: {  	_ =	shalt  }
0x51: {  	_ =	shalt  }
0x52: {  	_ =	shalt  }
0x53: {  	_ =	shalt  }
0x54: {  	_ =	shalt  }
0x55: {  	_ =	shalt  }
0x56: {  	_ =	shalt  }
0x57: {  	_ =	shalt  }
0x58: {  	_ =	shalt  }
0x59: {  	_ =	shalt  }
0x5a: {  	_ =	shalt  }
0x5b: {  	_ =	shalt  }
0x5c: {  	_ =	shalt  }
0x5d: {  	_ =	shalt  }
0x5e: {  	_ =	shalt  }
0x5f: {  	_ =	shalt  }
0x60: {  	_ =	shalt  }
0x61: {  	_ =	shalt  }
0x62: {  	_ =	shalt  }
0x63: {  	_ =	shalt  }
0x64: {  	_ =	shalt  }
0x65: {  	_ =	shalt  }
0x66: {  	_ =	shalt  }
0x67: {  	_ =	shalt  }
0x68: {  	_ =	shalt  }
0x69: {  	_ =	shalt  }
0x6a: {  	_ =	shalt  }
0x6b: {  	_ =	shalt  }
0x6c: {  	_ =	shalt  }
0x6d: {  	_ =	shalt  }
0x6e: {  	_ =	shalt  }
0x6f: {  	_ =	shalt  }
0x70: {  	_ =	shalt  }
0x71: {  	_ =	shalt  }
0x72: {  	_ =	shalt  }
0x73: {  	_ =	shalt  }
0x74: {  	_ =	shalt  }
0x75: {  	_ =	shalt  }
0x76: {  	_ =	shalt  }
0x77: {  	_ =	shalt  }
0x78: {  	_ =	shalt  }
0x79: {  	_ =	shalt  }
0x7a: {  	_ =	shalt  }
0x7b: {  	_ =	shalt  }
0x7c: {  	_ =	shalt  }
0x7d: {  	_ =	shalt  }
0x7e: {  	_ =	shalt  }
0x7f: {  	_ =	shalt  }
0x80: {  	_ =	shalt  }
0x81: {  	_ =	shalt  }
0x82: {  	_ =	shalt  }
0x83: {  	_ =	shalt  }
0x84: {  	_ =	shalt  }
0x85: {  	_ =	shalt  }
0x86: {  	_ =	shalt  }
0x87: {  	_ =	shalt  }
.Lfunc_end0:
.L_simem_size_0:
called_computation.1_lowered:
.L_overlay_start_0:
0x88: {  	s2 =	sld [smem:$0x3FD9]  }
0x89: {  	s3 =	sld [smem:$0x3FFE];
	_ =	sdelay $0x1  }
0x8a: {  	s1 =	srdreg.scid  }
0x8b: {  	s0 =	sand.u32 $0x1, s1  }
0x8c: {  	s16 =	sshll.u32 s0, $0xA;
	s2 =	sadd.s32 s3, s2  }
0x8d: {  	s2 =	sadd.s32 s2, s16  }
0x8e: {  	[smem:$0x3FBF] =	sst s2  }
0x8f: {  	_ = 	snop  }
0x90: {  	(tm) =	ssettm $0x1  }
0x91: {  	s17 =	sld [smem:$0x3FFB];
	_ =	sdelay $0x3  }
0x92: {  	_ =	strace s17  }
0x93: {  	s2 =	sld [smem:$0x3FFC];
	_ =	sdelay $0x3  }
0x94: {  	_ =	strace s2  }
0x95: {  	s2 =	sld [smem:$0x3FFD];
	_ =	sdelay $0x3  }
0x96: {  	_ =	strace s2  }
0x97: {  	_ =	strace $0x8FFFFFFF  }
0x98: {  	s18 =	sld [smem:$0x3FDB];
	_ =	sdelay $0x1  }
0x99: {  	s19 =	simm.s32 $_scs_section_size  }
0x9a: {  	s4 =	simm.s32 $_size__tile_overlayer_lowered;
	s5 =	simm.s32 $_tile_overlayer_lowered  }
0x9b: {  	s22 =	simm.s32 $0x1BFF;
	s21 =	sshll.u32 s5, $0x1;
	s2 =	sadd.s32 s19, s18  }
0x9c: {  	s6 =	simm.s32 $0x0;
	s20 =	sshll.u32 s4, $0x1;
	s4 =	sadd.s32 s21, s2  }
0x9d: {  	[timem:s6], [sflag:s22] =	dma.local [hbm:s4], s20  }
0x9e: {  	_ =	swait.ge [sflag:s22], s20  }
0x9f: {  	s3 =	ssub.s32 $0x0, s20;
	[sflag:s22] =	ssyncset.done $0x0  }
0xa0: {  	[sflag:s22] =	ssyncadd.s32 s3;
	_ =	sdelay $0x1  }
0xa1: {  	s23 =	simm.s32 $0x1B8B  }
0xa2: {  	_ =	swait.ge [sflag:s23], $0x1  }
0xa3: {  	[sflag:s23] =	ssyncset.done $0x0  }
0xa4: {  	s25 =	simm.s32 $0x1B8E;
	s24 =	sld [smem:$0x3FFE];
	[sflag:s23] =	ssyncadd.s32 $0xFFFFFFFF  }
0xa5: {  	s26 =	simm.s32 $execute0_lowered;
	[smem:$0x3FD2] =	sst s25  }
0xa6: {  	s4 =	sshll.u32 s26, $0x1;
	_ =	strace $0x80000049;
	[dreg:$0x1] =	wrdreg $0xFFFFFFFF  }
0xa7: {  	s28 =	simm.s32 $_size_execute0_lowered;
	s2 =	sadd.s32 s2, s4;
	[dreg:$0x0] =	wrdreg $0x0  }
0xa8: {  	s4 =	sshll.u32 s28, $0x1;
	[dreg:$0x2] =	wrdreg s2  }
0xa9: {  	[dreg:$0x3] =	wrdreg s4  }
0xaa: {  	[dreg:$0x4] =	wrdreg $0xC0  }
0xab: {  	_ =	task [dreg:s6], $0x5FFFF  }
0xac: {  	[dreg:$0x1] =	wrdreg $0xFFFFFFFF  }
0xad: {  	[dreg:$0x0] =	wrdreg $0x60  }
0xae: {  	[dreg:$0x2] =	wrdreg s24  }
0xaf: {  	[dreg:$0x3] =	wrdreg $0xA8000  }
0xb0: {  	[dreg:$0x4] =	wrdreg $0x9  }
0xb1: {  	_ =	task.clear_ibuf [dreg:s6], $0x5FFFF;
	_ =	strace $0x90000049  }
0xb2: {  	s29 =	simm.s32 $0x9;
	_ =	strace $0x8000004B  }
0xb3: {  	_ =	swait.ge [sflag:s29], $0x1  }
0xb4: {  	[sflag:s29] =	ssyncadd.s32 $0xFFFFFFFF  }
0xb5: {  	_ =	strace $0x9000004B  }
0xb6: {  	_ =	sfence  }
0xb7: {  	s30 =	sld [smem:$0x0];
	_ =	sdelay $0x2  }
0xb8: {  	s31 =	sshll.u32 s1, $0xD;
	s1 =	sshrl.u32 s1, $0x2  }
0xb9: {  	s3 =	sand.u32 $0x4000, s31;
	s1 =	sadd.s32 s1, s30  }
0xba: {  	s0 =	sor.u32 s3, s0;
	s1 =	sshll.u32 s1, $0x11  }
0xbb: {  	s0 =	sor.u32 s1, s0  }
0xbc: {  	s0 =	sadd.s32 $0x8F2B, s0  }
0xbd: {  	[sflag:s0] =	ssyncadd.remote.s32 $0x1  }
0xbe: {  	_ =	sfence.sel $0xFFFF  }
0xbf: {  	[dreg:$0x0] =	wrdreg $0xFFFFFFFF;
	(pc) =	sbr.abs _section_cstart, $3  }
0xc0: {  	[dreg:$0x1] =	wrdreg $0xFFFFFFFF  }
0xc1: {  	_ =	task.clear_ibuf [dreg:s6], $0x2FFFF;
	_ =	strace $0x9FFFFFFF  }
0xc2: {  	(tm) =	ssettm $0x7FFFFFFF  }
0xc3: {  	_ =	shalt  }
tec
execute0_lowered:
.L_overlay_start_1:
0x0: {  	(tag) =	ssettag $0x1  }
0x1: {  	s6 =	rddreg [dreg:$0x0]  }
0x2: {  	s1 =	rddreg [dreg:$0x1];
	s2 =	srdreg.scid  }
0x3: {  	s0 =	rddreg [dreg:$0x2];
	s3 =	simm.s32 $0x0;
	s16 =	simm.s32 $0x80  }
0x4: {  	s17 =	simm.s32 $0x2800;
	s18 =	simm.s32 $0x6800;
	s19 =	simm.s32 $0x1  }
0x5: {  	s20 =	simm.s32 $0x2;
	s21 =	simm.s32 $0x2700;
	s22 =	simm.s32 $0x2780  }
0x6: {  	s23 =	simm.s32 $0x0;
	s7 =	sand.u32 $0x1, s2;
	s2 =	stileid.u32  }
0x7: {  	[smem:$0x7FF] =	sst s3;
	s4 =	sadd.s32 $0x16A00, s6;
	s5 =	smul.u32 $0x140000, s7  }
0x8: {  	s9 =	sadd.s32 $0x2A00, s6;
	s10 =	sadd.s32 $0xCA00, s6;
	s8 =	smul.u32 $0x14000, s2  }
0x9: {  	_ =	strace $0x8000004A;
	s11 =	sshll.u32 s7, $0x4;
	s7 =	ssub.s32 $0x2, s7  }
0xa: {  	s12 =	smul.u32 $0x50000, s2;
	s31 =	sshll.u32 s2, $0x6;
	s11 =	sor.u32 s2, s11  }
0xb: {  	s28 =	sshrl.u32 s7, $0x1;
	s8 =	sadd.s32 s8, s5;
	s5 =	sadd.s32 $0x3EA00, s6  }
0xc: {  	s29 =	smul.u32 $0x2800, s11;
	s14 =	ssub.s32 s7, s28;
	s30 =	sshrl.u32 s12, $0x2  }
0xd: {  	s8 =	sshrl.u32 s8, $0x3;
	s15 =	sadd.s32 s30, s1;
	s12 =	smax.u32 s14, $0x1  }
0xe: {  	s14 =	simm.s32 $0x3;
	s13 =	sadd.s32 s8, s6;
	s11 =	sshrl.u32 s29, $0x3  }
0xf: {  	s7 =	sadd.s32 s9, s11;
	s8 =	sadd.s32 s10, s11;
	s11 =	sadd.s32 $0x280, s11  }
0x10: {  	s6 =	sor.u32 $0x1C03, s31;
	s9 =	sadd.s32 s9, s11;
	s10 =	sadd.s32 s10, s11  }
0x11: {  	s11 =	sadd.s32 $0x41200, s13;
	s13 =	sshrl.u32 s15, $0x3;
	s15 =	simm.s32 $0x1400  }
.LBB2_1:
0x12: {  	[spmem:s13], [sflag:s6] =	dma.local [hbm:s5], $0x2800  }
0x13: {  	_ =	swait.ge [sflag:s14], $0x2800  }
0x14: {  	[sflag:s14] =	ssyncset.done $0x0  }
0x15: {  	[sflag:s14] =	ssyncadd.s32 $0xFFFFD800  }
0x16: {  	[bflag:$0x0] =	sbarrier.arrive $0xFFFF  }
0x17: {  	[tilespmem:s3], [sflag:$0x3] =	stream.linear.gather [hbm4b:s7+s3], $0x1400, $0x38;
	[tilespmem:$0x1E800] =	vst v63  }
0x18: {  	_ =	swait.ge [sflag:s14], $0x1400  }
0x19: {  	[sflag:s14] =	ssyncset.done $0x0  }
0x1a: {  	[sflag:s14] =	ssyncadd.s32 $0xFFFFEC00  }
0x1b: {  	[tilespmem:s15], [sflag:$0x3] =	stream.linear.gather [hbm4b:s8+s3], $0x1400, $0x38;
	[tilespmem:$0x1E800] =	vst v63  }
0x1c: {  	_ =	swait.ge [sflag:s14], $0x1400  }
0x1d: {  	[sflag:s14] =	ssyncset.done $0x0  }
0x1e: {  	[sflag:s14] =	ssyncadd.s32 $0xFFFFEC00  }
0x1f: {  	[tilespmem:s17], [sflag:$0x1] =	stream.indirect.gather [hbm4b:s4+s16], $0x80, s3, s16, $0xb8;
	[tilespmem:$0x1E800] =	vst v63  }
0x20: {  	_ = 	snop  }
0x21: {  	[tilespmem:s18], [sflag:$0x2] =	stream.indirect.gather [hbm4b:s4+s16], $0x80, s16, s16, $0xb8;
	[tilespmem:$0x1E800] =	vst v63  }
0x22: {  	_ =	swait.ge [sflag:s19], $0x4000  }
0x23: {  	[sflag:s19] =	ssyncset.done $0x0  }
0x24: {  	s24 =	simm.s32 $0x1400;
	[sflag:s19] =	ssyncadd.s32 $0xFFFFC000  }
0x25: {  	[spmem:s1] =	stream.indirect.scatter.add.f32 [tilespmem:s17], [sflag:$0x3], $0x80, s24, s16, $0xb8;
	[tilespmem:$0x1E800] =	vst v63  }
0x26: {  	_ =	swait.ge [sflag:s14], $0x4000  }
0x27: {  	[sflag:s14] =	ssyncset.done $0x0  }
0x28: {  	s30 =	simm.s32 $0x100;
	[sflag:s14] =	ssyncadd.s32 $0xFFFFC000  }
0x29: {  	[tilespmem:s17], [sflag:$0x1] =	stream.indirect.gather [hbm4b:s4+s16], $0x80, s30, s16, $0xb8;
	[tilespmem:$0x1E800] =	vst v63  }
0x2a: {  	_ =	swait.ge [sflag:s20], $0x4000  }
0x2b: {  	[sflag:s20] =	ssyncset.done $0x0  }
0x2c: {  	s31 =	simm.s32 $0x1480;
	[sflag:s20] =	ssyncadd.s32 $0xFFFFC000  }
0x2d: {  	[spmem:s1] =	stream.indirect.scatter.add.f32 [tilespmem:s18], [sflag:$0x3], $0x80, s31, s16, $0xb8;
	[tilespmem:$0x1E800] =	vst v63  }
0x2e: {  	_ =	swait.ge [sflag:s14], $0x4000  }
0x2f: {  	[sflag:s14] =	ssyncset.done $0x0  }
0x30: {  	s25 =	simm.s32 $0x180;
	s24 =	simm.s32 $0x400;
	[sflag:s14] =	ssyncadd.s32 $0xFFFFC000  }
.LBB2_2:
0x31: {  	[tilespmem:s18], [sflag:$0x2] =	stream.indirect.gather [hbm4b:s4+s16], $0x80, s25, s16, $0xb8;
	[tilespmem:$0x1E800] =	vst v63  }
0x32: {  	s25 =	smov.u32 s24  }
0x33: {  	p0 =	sne.s32 s24, $0x4800;
	s24 =	sadd.s32 $0x400, s24;
	_ =	swait.ge [sflag:s19], $0x4000  }
0x34: {  	s25 =	sshra.s32 s25, $0x2;
	[sflag:s19] =	ssyncset.done $0x0  }
0x35: {  	s26 =	sadd.s32 $0x1400, s25;
	[sflag:s19] =	ssyncadd.s32 $0xFFFFC000  }
0x36: {  	[spmem:s1] =	stream.indirect.scatter.add.f32 [tilespmem:s17], [sflag:$0x3], $0x80, s26, s16, $0xb8;
	[tilespmem:$0x1E800] =	vst v63  }
0x37: {  	_ =	swait.ge [sflag:s14], $0x4000  }
0x38: {  	[sflag:s14] =	ssyncset.done $0x0  }
0x39: {  	s26 =	sadd.s32 $0x100, s25;
	[sflag:s14] =	ssyncadd.s32 $0xFFFFC000  }
0x3a: {  	[tilespmem:s17], [sflag:$0x1] =	stream.indirect.gather [hbm4b:s4+s16], $0x80, s26, s16, $0xb8;
	[tilespmem:$0x1E800] =	vst v63  }
0x3b: {  	_ =	swait.ge [sflag:s20], $0x4000  }
0x3c: {  	[sflag:s20] =	ssyncset.done $0x0  }
.Ltmp0:
0x3d: {  	s26 =	sadd.s32 $0x1480, s25;
	[sflag:s20] =	ssyncadd.s32 $0xFFFFC000;
	(pc) =	sbr.rel @p0 .LBB2_2-.Ltmp0, $4  }
0x3e: {  	[spmem:s1] =	stream.indirect.scatter.add.f32 [tilespmem:s18], [sflag:$0x3], $0x80, s26, s16, $0xb8;
	[tilespmem:$0x1E800] =	vst v63  }
0x3f: {  	_ =	swait.ge [sflag:s14], $0x4000  }
0x40: {  	[sflag:s14] =	ssyncset.done $0x0  }
0x41: {  	s25 =	sadd.s32 $0x180, s25;
	[sflag:s14] =	ssyncadd.s32 $0xFFFFC000  }
0x42: {  	[tilespmem:s18], [sflag:$0x2] =	stream.indirect.gather [hbm4b:s4+s16], $0x80, s25, s16, $0xb8;
	[tilespmem:$0x1E800] =	vst v63  }
0x43: {  	_ =	swait.ge [sflag:s19], $0x4000  }
0x44: {  	[sflag:s19] =	ssyncset.done $0x0  }
0x45: {  	[sflag:s19] =	ssyncadd.s32 $0xFFFFC000  }
0x46: {  	[spmem:s1] =	stream.indirect.scatter.add.f32 [tilespmem:s17], [sflag:$0x3], $0x80, s21, s16, $0xb8;
	[tilespmem:$0x1E800] =	vst v63  }
0x47: {  	_ =	swait.ge [sflag:s14], $0x4000  }
0x48: {  	[sflag:s14] =	ssyncset.done $0x0  }
0x49: {  	[sflag:s14] =	ssyncadd.s32 $0xFFFFC000  }
0x4a: {  	_ =	swait.ge [sflag:s20], $0x4000  }
0x4b: {  	[sflag:s20] =	ssyncset.done $0x0  }
0x4c: {  	[sflag:s20] =	ssyncadd.s32 $0xFFFFC000  }
0x4d: {  	[spmem:s1] =	stream.indirect.scatter.add.f32 [tilespmem:s18], [sflag:$0x3], $0x80, s22, s16, $0xb8;
	[tilespmem:$0x1E800] =	vst v63  }
0x4e: {  	_ =	swait.ge [sflag:s14], $0x4000  }
0x4f: {  	[sflag:s14] =	ssyncset.done $0x0  }
0x50: {  	s24 =	simm.s32 $0x0;
	[sflag:s14] =	ssyncadd.s32 $0xFFFFC000  }
0x51: {  	[tilespmem:s24], [sflag:$0x3] =	stream.linear.gather [hbm4b:s9+s24], $0x1400, $0x38;
	[tilespmem:$0x1E800] =	vst v63  }
0x52: {  	_ =	swait.ge [sflag:s14], $0x1400  }
0x53: {  	[sflag:s14] =	ssyncset.done $0x0  }
0x54: {  	[sflag:s14] =	ssyncadd.s32 $0xFFFFEC00  }
0x55: {  	[tilespmem:s15], [sflag:$0x3] =	stream.linear.gather [hbm4b:s10+s24], $0x1400, $0x38;
	[tilespmem:$0x1E800] =	vst v63  }
0x56: {  	_ =	swait.ge [sflag:s14], $0x1400  }
0x57: {  	[sflag:s14] =	ssyncset.done $0x0  }
0x58: {  	[sflag:s14] =	ssyncadd.s32 $0xFFFFEC00  }
0x59: {  	[tilespmem:s17], [sflag:$0x1] =	stream.indirect.gather [hbm4b:s4+s16], $0x80, s24, s16, $0xb8;
	[tilespmem:$0x1E800] =	vst v63  }
0x5a: {  	_ = 	snop  }
0x5b: {  	[tilespmem:s18], [sflag:$0x2] =	stream.indirect.gather [hbm4b:s4+s16], $0x80, s16, s16, $0xb8;
	[tilespmem:$0x1E800] =	vst v63  }
0x5c: {  	_ =	swait.ge [sflag:s19], $0x4000  }
0x5d: {  	[sflag:s19] =	ssyncset.done $0x0  }
0x5e: {  	s29 =	simm.s32 $0x1400;
	[sflag:s19] =	ssyncadd.s32 $0xFFFFC000  }
0x5f: {  	[spmem:s1] =	stream.indirect.scatter.add.f32 [tilespmem:s17], [sflag:$0x3], $0x80, s29, s16, $0xb8;
	[tilespmem:$0x1E800] =	vst v63  }
0x60: {  	_ =	swait.ge [sflag:s14], $0x4000  }
0x61: {  	[sflag:s14] =	ssyncset.done $0x0  }
0x62: {  	s30 =	simm.s32 $0x100;
	[sflag:s14] =	ssyncadd.s32 $0xFFFFC000  }
0x63: {  	[tilespmem:s17], [sflag:$0x1] =	stream.indirect.gather [hbm4b:s4+s16], $0x80, s30, s16, $0xb8;
	[tilespmem:$0x1E800] =	vst v63  }
0x64: {  	_ =	swait.ge [sflag:s20], $0x4000  }
0x65: {  	[sflag:s20] =	ssyncset.done $0x0  }
0x66: {  	s31 =	simm.s32 $0x1480;
	[sflag:s20] =	ssyncadd.s32 $0xFFFFC000  }
0x67: {  	[spmem:s1] =	stream.indirect.scatter.add.f32 [tilespmem:s18], [sflag:$0x3], $0x80, s31, s16, $0xb8;
	[tilespmem:$0x1E800] =	vst v63  }
0x68: {  	_ =	swait.ge [sflag:s14], $0x4000  }
0x69: {  	[sflag:s14] =	ssyncset.done $0x0  }
0x6a: {  	s25 =	simm.s32 $0x180;
	s24 =	simm.s32 $0x400;
	[sflag:s14] =	ssyncadd.s32 $0xFFFFC000  }
.LBB2_4:
0x6b: {  	[tilespmem:s18], [sflag:$0x2] =	stream.indirect.gather [hbm4b:s4+s16], $0x80, s25, s16, $0xb8;
	[tilespmem:$0x1E800] =	vst v63  }
0x6c: {  	s25 =	smov.u32 s24  }
0x6d: {  	p0 =	sne.s32 s24, $0x4800;
	s24 =	sadd.s32 $0x400, s24;
	_ =	swait.ge [sflag:s19], $0x4000  }
0x6e: {  	s25 =	sshra.s32 s25, $0x2;
	[sflag:s19] =	ssyncset.done $0x0  }
0x6f: {  	s26 =	sadd.s32 $0x1400, s25;
	[sflag:s19] =	ssyncadd.s32 $0xFFFFC000  }
0x70: {  	[spmem:s1] =	stream.indirect.scatter.add.f32 [tilespmem:s17], [sflag:$0x3], $0x80, s26, s16, $0xb8;
	[tilespmem:$0x1E800] =	vst v63  }
0x71: {  	_ =	swait.ge [sflag:s14], $0x4000  }
0x72: {  	[sflag:s14] =	ssyncset.done $0x0  }
0x73: {  	s26 =	sadd.s32 $0x100, s25;
	[sflag:s14] =	ssyncadd.s32 $0xFFFFC000  }
0x74: {  	[tilespmem:s17], [sflag:$0x1] =	stream.indirect.gather [hbm4b:s4+s16], $0x80, s26, s16, $0xb8;
	[tilespmem:$0x1E800] =	vst v63  }
0x75: {  	_ =	swait.ge [sflag:s20], $0x4000  }
0x76: {  	[sflag:s20] =	ssyncset.done $0x0  }
.Ltmp1:
0x77: {  	s26 =	sadd.s32 $0x1480, s25;
	[sflag:s20] =	ssyncadd.s32 $0xFFFFC000;
	(pc) =	sbr.rel @p0 .LBB2_4-.Ltmp1, $4  }
0x78: {  	[spmem:s1] =	stream.indirect.scatter.add.f32 [tilespmem:s18], [sflag:$0x3], $0x80, s26, s16, $0xb8;
	[tilespmem:$0x1E800] =	vst v63  }
0x79: {  	_ =	swait.ge [sflag:s14], $0x4000  }
0x7a: {  	[sflag:s14] =	ssyncset.done $0x0  }
0x7b: {  	s25 =	sadd.s32 $0x180, s25;
	[sflag:s14] =	ssyncadd.s32 $0xFFFFC000  }
0x7c: {  	[tilespmem:s18], [sflag:$0x2] =	stream.indirect.gather [hbm4b:s4+s16], $0x80, s25, s16, $0xb8;
	[tilespmem:$0x1E800] =	vst v63  }
0x7d: {  	_ =	swait.ge [sflag:s19], $0x4000  }
0x7e: {  	[sflag:s19] =	ssyncset.done $0x0  }
0x7f: {  	[sflag:s19] =	ssyncadd.s32 $0xFFFFC000  }
0x80: {  	[spmem:s1] =	stream.indirect.scatter.add.f32 [tilespmem:s17], [sflag:$0x3], $0x80, s21, s16, $0xb8;
	[tilespmem:$0x1E800] =	vst v63  }
0x81: {  	_ =	swait.ge [sflag:s14], $0x4000  }
0x82: {  	[sflag:s14] =	ssyncset.done $0x0  }
0x83: {  	[sflag:s14] =	ssyncadd.s32 $0xFFFFC000  }
0x84: {  	_ =	swait.ge [sflag:s20], $0x4000  }
0x85: {  	[sflag:s20] =	ssyncset.done $0x0  }
0x86: {  	[sflag:s20] =	ssyncadd.s32 $0xFFFFC000  }
0x87: {  	[spmem:s1] =	stream.indirect.scatter.add.f32 [tilespmem:s18], [sflag:$0x3], $0x80, s22, s16, $0xb8;
	[tilespmem:$0x1E800] =	vst v63  }
0x88: {  	_ =	swait.ge [sflag:s14], $0x4000  }
0x89: {  	s23 =	sadd.s32 $0x1, s23;
	[sflag:s14] =	ssyncset.done $0x0  }
0x8a: {  	p0 =	sne.s32 s23, s12;
	[sflag:s14] =	ssyncadd.s32 $0xFFFFC000  }
.Ltmp2:
0x8b: {  	[bflag:$0x0] =	sbarrier.arrive $0xFFFF;
	(pc) =	sbr.rel @p0 .LBB2_1-.Ltmp2, $4  }
0x8c: {  	[hbm:s11], [sflag:s6] =	dma.local [spmem:s13], $0x2800  }
0x8d: {  	_ =	swait.ge [sflag:s14], $0x2800  }
0x8e: {  	[sflag:s14] =	ssyncset.done $0x0  }
0x8f: {  	[sflag:s14] =	ssyncadd.s32 $0xFFFFD800  }
0x90: {  	_ =	sfence.sel $0x180000  }
0x91: {  	[bflag:$0x0] =	sbarrier.arrive $0xFFFF  }
0x92: {  	p0 =	sne.s32 s2, $0x0;
	_ =	strace $0x9000004A  }
0x93: {  	s0 =	sadd.s32 @!p0 $0x100000, s0;
	[bflag:$0x2] =	sbarrier.arrive $0xFFFF  }
0x94: {  	[sflag:s0] =	ssyncadd.tile.s32 @!p0 $0x1;
	_ =	shalt  }
.Lfunc_end2:
_tile_overlayer_lowered:
.L_overlay_start_2:
0x95: {  	(tag) =	ssettag $0x2  }
0x96: {  	s0 =	rddreg [dreg:$0x0];
	s2 =	stileid.u32  }
0x97: {  	s1 =	rddreg [dreg:$0x1];
	p0 =	sne.s32 s2, $0x0  }
0x98: {  	s3 =	rddreg [dreg:$0x2];
	[bflag:$0x3] =	sbarrier.arrive $0xFFFF;
	s2 =	simm.s32 @!p0 $0x1C03  }
0x99: {  	[timem:s3], [sflag:s2] =	dma.local @!p0 [hbm:s0], s1  }
0x9a: {  	s0 =	simm.s32 @!p0 $0x3  }
0x9b: {  	_ =	swait.ge @!p0 [sflag:s0], s1  }
0x9c: {  	s1 =	ssub.s32 @!p0 $0x0, s1;
	[sflag:s0] =	ssyncset.done @!p0 $0x0  }
0x9d: {  	[sflag:s0] =	ssyncadd.s32 @!p0 s1  }
0x9e: {  	[bflag:$0x3] =	sbarrier.arrive $0xFFFF  }
0x9f: {  	_ =	shalt  }

// kernel: kernel.15.cloned.1.call-start
scs
__scs_entry_jumppad:
0x0: {  	(pc) =	sbr.rel $0x88, $3  }
0x1: {  	(tag) =	ssettag $0x0;
	lr =	simm.s32 $0x1  }
0x2: {  	[smem:$0x3F98] =	sst lr;
	_ =	strace $0xD0000000  }
0x3: {  	_ = 	snop  }
0x4: {  	_ = 	snop  }
0x5: {  	_ = 	snop  }
0x6: {  	_ = 	snop  }
0x7: {  	_ = 	snop  }
__scs_overlays_trampoline_lowered:
0x8: {  	[smem:$0x3FA7] =	sst s0  }
0x9: {  	[smem:$0x3FA8] =	sst s1  }
0xa: {  	[smem:$0x3FA9] =	sst s2  }
0xb: {  	[smem:$0x3FAA] =	sst s3  }
0xc: {  	[smem:$0x3FAB] =	sst s4  }
0xd: {  	[smem:$0x3FAC] =	sst s5  }
0xe: {  	[smem:$0x3FAD] =	sst s6  }
0xf: {  	[smem:$0x3FAE] =	sst s7  }
0x10: {  	[smem:$0x3FAF] =	sst s8  }
0x11: {  	[smem:$0x3FB0] =	sst s9;
	s0 =	simm.s32 @!p0 $0x0  }
0x12: {  	s1 =	sld [smem:$0x3F96];
	s0 =	simm.s32 @p0 $0x1  }
0x13: {  	[smem:$0x3FB1] =	sst s0;
	s0 =	simm.s32 @!p1 $0x0  }
0x14: {  	s2 =	sld [smem:$0x3F95];
	s0 =	simm.s32 @p1 $0x1  }
0x15: {  	[smem:$0x3FB2] =	sst s0;
	s0 =	simm.s32 @!p2 $0x0  }
0x16: {  	s3 =	sld [smem:$0x3FDB];
	s0 =	simm.s32 @p2 $0x1  }
0x17: {  	s4 =	simm.s32 $0x1BF5;
	[smem:$0x3FB4] =	sst s0  }
0x18: {  	s0 =	sld [smem:$0x3F97];
	_ =	swait.ge [sflag:s4], $0x0  }
0x19: {  	s7 =	sld [smem:$0x3F98]  }
0x1a: {  	s8 =	sadd.s32 $0xFFFFE003, lr  }
0x1b: {  	s9 =	sadd.s32 $0xFFFFFEF7, lr;
	s5 =	simm.s32 $0xFFFFFFFF;
	p2 =	slt.u32 s8, $0xFFFFF086  }
0x1c: {  	p1 =	slt.u32 s9, $0xF7A;
	s5 =	simm.s32 @!p2 $0x0  }
0x1d: {  	s5 =	simm.s32 @p1 $0x1;
	p0 =	seq.s32 s7, s2  }
0x1e: {  	s7 =	smul.u32 @!p0 $0xF7A, s2;
	p2 =	seq.s32 @!p0 s5, $0x0  }
0x1f: {  	s9 =	smul.u32 $0xF7A, s1;
	s8 =	simm.s32 @!p0 $0x1BF5;
	p2 =	por !p2, p0  }
0x20: {  	[sflag:s8] =	ssyncset.s32 @!p0 $0xFFFFF086;
	s6 =	sadd.s32 @!p0 s3, s7;
	s7 =	simm.s32 @!p0 $0x108  }
0x21: {  	s3 =	sadd.s32 s3, s9;
	s6 =	sadd.s32 @!p0 $0x88, s6;
	s7 =	simm.s32 @p2 $0x1082  }
0x22: {  	[simem:s7], [sflag:s8] =	dma.local @!p0 [hbm:s6], $0xF7A  }
0x23: {  	s9 =	sor.u32 $0xD0000000, s2;
	s6 =	simm.s32 $0x108;
	_ =	swait.ge @!p0 [sflag:s8], $0x0  }
0x24: {  	s3 =	sadd.s32 $0x88, s3;
	s6 =	simm.s32 @!p1 $0x1082;
	[sflag:s4] =	ssyncset.s32 $0xFFFFF086  }
0x25: {  	[simem:s6], [sflag:s4] =	dma.local [hbm:s3], $0xF7A  }
0x26: {  	[smem:$0x3F98] =	sst s1;
	(tag) =	ssettag s2;
	_ =	strace s9  }
0x27: {  	s1 =	sld [smem:$0x3FA8]  }
0x28: {  	s2 =	sld [smem:$0x3FA9]  }
0x29: {  	s4 =	sld [smem:$0x3FAB]  }
0x2a: {  	p0 =	seq.s32 s5, $0x0;
	s5 =	sld [smem:$0x3FAC]  }
0x2b: {  	s6 =	sld [smem:$0x3FAD]  }
0x2c: {  	s7 =	sld [smem:$0x3FAE]  }
0x2d: {  	s3 =	simm.s32 $0x108;
	s8 =	sld [smem:$0x3FAF]  }
0x2e: {  	s3 =	simm.s32 @!p0 $0x1082;
	s9 =	sld [smem:$0x3FB0]  }
0x2f: {  	lr =	sadd.s32 s0, s3;
	s0 =	sld [smem:$0x3FA7]  }
0x30: {  	s3 =	sld [smem:$0x3FAA]  }
0x31: {  	[smem:$0x3FB3] =	sst s10  }
0x32: {  	s10 =	sld [smem:$0x3FB1];
	_ =	sdelay $0x3  }
0x33: {  	p0 =	seq.s32 s10, $0x1;
	s10 =	sld [smem:$0x3FB3];
	_ =	sdelay $0x3  }
0x34: {  	[smem:$0x3FB3] =	sst s10  }
0x35: {  	s10 =	sld [smem:$0x3FB2];
	_ =	sdelay $0x3  }
0x36: {  	p1 =	seq.s32 s10, $0x1;
	s10 =	sld [smem:$0x3FB3];
	_ =	sdelay $0x3  }
0x37: {  	[smem:$0x3FB3] =	sst s10  }
0x38: {  	s10 =	sld [smem:$0x3FB4]  }
0x39: {  	_ = 	snop;
	(pc) =	sbr.ind lr, $3  }
0x3a: {  	_ = 	snop  }
0x3b: {  	_ = 	snop  }
0x3c: {  	p2 =	seq.s32 s10, $0x1;
	s10 =	sld [smem:$0x3FB3]  }
0x3d: {  	_ =	shalt  }
0x3e: {  	_ =	shalt  }
0x3f: {  	_ =	shalt  }
0x40: {  	_ =	shalt  }
0x41: {  	_ =	shalt  }
0x42: {  	_ =	shalt  }
0x43: {  	_ =	shalt  }
0x44: {  	_ =	shalt  }
0x45: {  	_ =	shalt  }
0x46: {  	_ =	shalt  }
0x47: {  	_ =	shalt  }
0x48: {  	_ =	shalt  }
0x49: {  	_ =	shalt  }
0x4a: {  	_ =	shalt  }
0x4b: {  	_ =	shalt  }
0x4c: {  	_ =	shalt  }
0x4d: {  	_ =	shalt  }
0x4e: {  	_ =	shalt  }
0x4f: {  	_ =	shalt  }
0x50: {  	_ =	shalt  }
0x51: {  	_ =	shalt  }
0x52: {  	_ =	shalt  }
0x53: {  	_ =	shalt  }
0x54: {  	_ =	shalt  }
0x55: {  	_ =	shalt  }
0x56: {  	_ =	shalt  }
0x57: {  	_ =	shalt  }
0x58: {  	_ =	shalt  }
0x59: {  	_ =	shalt  }
0x5a: {  	_ =	shalt  }
0x5b: {  	_ =	shalt  }
0x5c: {  	_ =	shalt  }
0x5d: {  	_ =	shalt  }
0x5e: {  	_ =	shalt  }
0x5f: {  	_ =	shalt  }
0x60: {  	_ =	shalt  }
0x61: {  	_ =	shalt  }
0x62: {  	_ =	shalt  }
0x63: {  	_ =	shalt  }
0x64: {  	_ =	shalt  }
0x65: {  	_ =	shalt  }
0x66: {  	_ =	shalt  }
0x67: {  	_ =	shalt  }
0x68: {  	_ =	shalt  }
0x69: {  	_ =	shalt  }
0x6a: {  	_ =	shalt  }
0x6b: {  	_ =	shalt  }
0x6c: {  	_ =	shalt  }
0x6d: {  	_ =	shalt  }
0x6e: {  	_ =	shalt  }
0x6f: {  	_ =	shalt  }
0x70: {  	_ =	shalt  }
0x71: {  	_ =	shalt  }
0x72: {  	_ =	shalt  }
0x73: {  	_ =	shalt  }
0x74: {  	_ =	shalt  }
0x75: {  	_ =	shalt  }
0x76: {  	_ =	shalt  }
0x77: {  	_ =	shalt  }
0x78: {  	_ =	shalt  }
0x79: {  	_ =	shalt  }
0x7a: {  	_ =	shalt  }
0x7b: {  	_ =	shalt  }
0x7c: {  	_ =	shalt  }
0x7d: {  	_ =	shalt  }
0x7e: {  	_ =	shalt  }
0x7f: {  	_ =	shalt  }
0x80: {  	_ =	shalt  }
0x81: {  	_ =	shalt  }
0x82: {  	_ =	shalt  }
0x83: {  	_ =	shalt  }
0x84: {  	_ =	shalt  }
0x85: {  	_ =	shalt  }
0x86: {  	_ =	shalt  }
0x87: {  	_ =	shalt  }
.Lfunc_end0:
.L_simem_size_0:
called_computation.2_lowered:
.L_overlay_start_0:
0x88: {  	s2 =	sld [smem:$0x3FD9]  }
0x89: {  	s3 =	sld [smem:$0x3FFE];
	_ =	sdelay $0x1  }
0x8a: {  	s1 =	srdreg.scid  }
0x8b: {  	s0 =	sand.u32 $0x1, s1  }
0x8c: {  	s16 =	sshll.u32 s0, $0xA;
	s2 =	sadd.s32 s3, s2  }
0x8d: {  	s2 =	sadd.s32 s2, s16  }
0x8e: {  	[smem:$0x3FBF] =	sst s2  }
0x8f: {  	_ = 	snop  }
0x90: {  	(tm) =	ssettm $0x1  }
0x91: {  	s17 =	sld [smem:$0x3FFB];
	_ =	sdelay $0x3  }
0x92: {  	_ =	strace s17  }
0x93: {  	s2 =	sld [smem:$0x3FFC];
	_ =	sdelay $0x3  }
0x94: {  	_ =	strace s2  }
0x95: {  	s2 =	sld [smem:$0x3FFD];
	_ =	sdelay $0x3  }
0x96: {  	_ =	strace s2  }
0x97: {  	_ =	strace $0x8FFFFFFF  }
0x98: {  	s18 =	sld [smem:$0x3FDB];
	_ =	sdelay $0x1  }
0x99: {  	s19 =	simm.s32 $_scs_section_size  }
0x9a: {  	s4 =	simm.s32 $_size__tile_overlayer_lowered;
	s5 =	simm.s32 $_tile_overlayer_lowered  }
0x9b: {  	s22 =	simm.s32 $0x1BFF;
	s21 =	sshll.u32 s5, $0x1;
	s2 =	sadd.s32 s19, s18  }
0x9c: {  	s6 =	simm.s32 $0x0;
	s20 =	sshll.u32 s4, $0x1;
	s4 =	sadd.s32 s21, s2  }
0x9d: {  	[timem:s6], [sflag:s22] =	dma.local [hbm:s4], s20  }
0x9e: {  	_ =	swait.ge [sflag:s22], s20  }
0x9f: {  	s3 =	ssub.s32 $0x0, s20;
	[sflag:s22] =	ssyncset.done $0x0  }
0xa0: {  	[sflag:s22] =	ssyncadd.s32 s3;
	_ =	sdelay $0x1  }
0xa1: {  	s23 =	simm.s32 $0x1B8B  }
0xa2: {  	_ =	swait.ge [sflag:s23], $0x1  }
0xa3: {  	[sflag:s23] =	ssyncset.done $0x0  }
0xa4: {  	s25 =	simm.s32 $0x1B8E;
	s24 =	sld [smem:$0x3FFE];
	[sflag:s23] =	ssyncadd.s32 $0xFFFFFFFF  }
0xa5: {  	s26 =	simm.s32 $execute0_lowered;
	[smem:$0x3FD2] =	sst s25  }
0xa6: {  	s4 =	sshll.u32 s26, $0x1;
	_ =	strace $0x8000004C;
	[dreg:$0x1] =	wrdreg $0xFFFFFFFF  }
0xa7: {  	s28 =	simm.s32 $_size_execute0_lowered;
	s2 =	sadd.s32 s2, s4;
	[dreg:$0x0] =	wrdreg $0x0  }
0xa8: {  	s4 =	sshll.u32 s28, $0x1;
	[dreg:$0x2] =	wrdreg s2  }
0xa9: {  	[dreg:$0x3] =	wrdreg s4  }
0xaa: {  	[dreg:$0x4] =	wrdreg $0xC0  }
0xab: {  	_ =	task [dreg:s6], $0x5FFFF  }
0xac: {  	[dreg:$0x1] =	wrdreg $0xFFFFFFFF  }
0xad: {  	[dreg:$0x0] =	wrdreg $0x60  }
0xae: {  	[dreg:$0x2] =	wrdreg s24  }
0xaf: {  	[dreg:$0x3] =	wrdreg $0xA8000  }
0xb0: {  	[dreg:$0x4] =	wrdreg $0x9  }
0xb1: {  	_ =	task.clear_ibuf [dreg:s6], $0x5FFFF;
	_ =	strace $0x9000004C  }
0xb2: {  	s29 =	simm.s32 $0x9;
	_ =	strace $0x8000004E  }
0xb3: {  	_ =	swait.ge [sflag:s29], $0x1  }
0xb4: {  	[sflag:s29] =	ssyncadd.s32 $0xFFFFFFFF  }
0xb5: {  	_ =	strace $0x9000004E  }
0xb6: {  	_ =	sfence  }
0xb7: {  	s30 =	sld [smem:$0x0];
	_ =	sdelay $0x2  }
0xb8: {  	s31 =	sshll.u32 s1, $0xD;
	s1 =	sshrl.u32 s1, $0x2  }
0xb9: {  	s3 =	sand.u32 $0x4000, s31;
	s1 =	sadd.s32 s1, s30  }
0xba: {  	s0 =	sor.u32 s3, s0;
	s1 =	sshll.u32 s1, $0x11  }
0xbb: {  	s0 =	sor.u32 s1, s0  }
0xbc: {  	s0 =	sadd.s32 $0x8F2B, s0  }
0xbd: {  	[sflag:s0] =	ssyncadd.remote.s32 $0x1  }
0xbe: {  	_ =	sfence.sel $0xFFFF  }
0xbf: {  	[dreg:$0x0] =	wrdreg $0xFFFFFFFF;
	(pc) =	sbr.abs _section_cstart, $3  }
0xc0: {  	[dreg:$0x1] =	wrdreg $0xFFFFFFFF  }
0xc1: {  	_ =	task.clear_ibuf [dreg:s6], $0x2FFFF;
	_ =	strace $0x9FFFFFFF  }
0xc2: {  	(tm) =	ssettm $0x7FFFFFFF  }
0xc3: {  	_ =	shalt  }
tec
execute0_lowered:
.L_overlay_start_1:
0x0: {  	(tag) =	ssettag $0x1  }
0x1: {  	s6 =	rddreg [dreg:$0x0]  }
0x2: {  	s1 =	rddreg [dreg:$0x1];
	s2 =	srdreg.scid  }
0x3: {  	s0 =	rddreg [dreg:$0x2];
	s3 =	simm.s32 $0x0;
	s16 =	simm.s32 $0x80  }
0x4: {  	s17 =	simm.s32 $0x2800;
	s18 =	simm.s32 $0x6800;
	s19 =	simm.s32 $0x1  }
0x5: {  	s20 =	simm.s32 $0x2;
	s21 =	simm.s32 $0x2700;
	s22 =	simm.s32 $0x2780  }
0x6: {  	s23 =	simm.s32 $0x0;
	s7 =	sand.u32 $0x1, s2;
	s2 =	stileid.u32  }
0x7: {  	[smem:$0x7FF] =	sst s3;
	s4 =	sadd.s32 $0x16A00, s6;
	s5 =	smul.u32 $0x140000, s7  }
0x8: {  	s9 =	sadd.s32 $0x2A00, s6;
	s10 =	sadd.s32 $0xCA00, s6;
	s8 =	smul.u32 $0x14000, s2  }
0x9: {  	_ =	strace $0x8000004D;
	s11 =	sshll.u32 s7, $0x4;
	s7 =	ssub.s32 $0x2, s7  }
0xa: {  	s12 =	smul.u32 $0x50000, s2;
	s31 =	sshll.u32 s2, $0x6;
	s11 =	sor.u32 s2, s11  }
0xb: {  	s28 =	sshrl.u32 s7, $0x1;
	s8 =	sadd.s32 s8, s5;
	s5 =	sadd.s32 $0x3EA00, s6  }
0xc: {  	s29 =	smul.u32 $0x2800, s11;
	s14 =	ssub.s32 s7, s28;
	s30 =	sshrl.u32 s12, $0x2  }
0xd: {  	s8 =	sshrl.u32 s8, $0x3;
	s15 =	sadd.s32 s30, s1;
	s12 =	smax.u32 s14, $0x1  }
0xe: {  	s14 =	simm.s32 $0x3;
	s13 =	sadd.s32 s8, s6;
	s11 =	sshrl.u32 s29, $0x3  }
0xf: {  	s7 =	sadd.s32 s9, s11;
	s8 =	sadd.s32 s10, s11;
	s11 =	sadd.s32 $0x280, s11  }
0x10: {  	s6 =	sor.u32 $0x1C03, s31;
	s9 =	sadd.s32 s9, s11;
	s10 =	sadd.s32 s10, s11  }
0x11: {  	s11 =	sadd.s32 $0x41200, s13;
	s13 =	sshrl.u32 s15, $0x3;
	s15 =	simm.s32 $0x1400  }
.LBB2_1:
0x12: {  	[spmem:s13], [sflag:s6] =	dma.local [hbm:s5], $0x2800  }
0x13: {  	_ =	swait.ge [sflag:s14], $0x2800  }
0x14: {  	[sflag:s14] =	ssyncset.done $0x0  }
0x15: {  	[sflag:s14] =	ssyncadd.s32 $0xFFFFD800  }
0x16: {  	[bflag:$0x0] =	sbarrier.arrive $0xFFFF  }
0x17: {  	[tilespmem:s3], [sflag:$0x3] =	stream.linear.gather [hbm4b:s7+s3], $0x1400, $0x38;
	[tilespmem:$0x1E800] =	vst v63  }
0x18: {  	_ =	swait.ge [sflag:s14], $0x1400  }
0x19: {  	[sflag:s14] =	ssyncset.done $0x0  }
0x1a: {  	[sflag:s14] =	ssyncadd.s32 $0xFFFFEC00  }
0x1b: {  	[tilespmem:s15], [sflag:$0x3] =	stream.linear.gather [hbm4b:s8+s3], $0x1400, $0x38;
	[tilespmem:$0x1E800] =	vst v63  }
0x1c: {  	_ =	swait.ge [sflag:s14], $0x1400  }
0x1d: {  	[sflag:s14] =	ssyncset.done $0x0  }
0x1e: {  	[sflag:s14] =	ssyncadd.s32 $0xFFFFEC00  }
0x1f: {  	[tilespmem:s17], [sflag:$0x1] =	stream.indirect.gather [hbm4b:s4+s16], $0x80, s3, s16, $0xb8;
	[tilespmem:$0x1E800] =	vst v63  }
0x20: {  	_ = 	snop  }
0x21: {  	[tilespmem:s18], [sflag:$0x2] =	stream.indirect.gather [hbm4b:s4+s16], $0x80, s16, s16, $0xb8;
	[tilespmem:$0x1E800] =	vst v63  }
0x22: {  	_ =	swait.ge [sflag:s19], $0x4000  }
0x23: {  	[sflag:s19] =	ssyncset.done $0x0  }
0x24: {  	s24 =	simm.s32 $0x1400;
	[sflag:s19] =	ssyncadd.s32 $0xFFFFC000  }
0x25: {  	[spmem:s1] =	stream.indirect.scatter.add.f32 [tilespmem:s17], [sflag:$0x3], $0x80, s24, s16, $0xb8;
	[tilespmem:$0x1E800] =	vst v63  }
0x26: {  	_ =	swait.ge [sflag:s14], $0x4000  }
0x27: {  	[sflag:s14] =	ssyncset.done $0x0  }
0x28: {  	s30 =	simm.s32 $0x100;
	[sflag:s14] =	ssyncadd.s32 $0xFFFFC000  }
0x29: {  	[tilespmem:s17], [sflag:$0x1] =	stream.indirect.gather [hbm4b:s4+s16], $0x80, s30, s16, $0xb8;
	[tilespmem:$0x1E800] =	vst v63  }
0x2a: {  	_ =	swait.ge [sflag:s20], $0x4000  }
0x2b: {  	[sflag:s20] =	ssyncset.done $0x0  }
0x2c: {  	s31 =	simm.s32 $0x1480;
	[sflag:s20] =	ssyncadd.s32 $0xFFFFC000  }
0x2d: {  	[spmem:s1] =	stream.indirect.scatter.add.f32 [tilespmem:s18], [sflag:$0x3], $0x80, s31, s16, $0xb8;
	[tilespmem:$0x1E800] =	vst v63  }
0x2e: {  	_ =	swait.ge [sflag:s14], $0x4000  }
0x2f: {  	[sflag:s14] =	ssyncset.done $0x0  }
0x30: {  	s25 =	simm.s32 $0x180;
	s24 =	simm.s32 $0x400;
	[sflag:s14] =	ssyncadd.s32 $0xFFFFC000  }
.LBB2_2:
0x31: {  	[tilespmem:s18], [sflag:$0x2] =	stream.indirect.gather [hbm4b:s4+s16], $0x80, s25, s16, $0xb8;
	[tilespmem:$0x1E800] =	vst v63  }
0x32: {  	s25 =	smov.u32 s24  }
0x33: {  	p0 =	sne.s32 s24, $0x4800;
	s24 =	sadd.s32 $0x400, s24;
	_ =	swait.ge [sflag:s19], $0x4000  }
0x34: {  	s25 =	sshra.s32 s25, $0x2;
	[sflag:s19] =	ssyncset.done $0x0  }
0x35: {  	s26 =	sadd.s32 $0x1400, s25;
	[sflag:s19] =	ssyncadd.s32 $0xFFFFC000  }
0x36: {  	[spmem:s1] =	stream.indirect.scatter.add.f32 [tilespmem:s17], [sflag:$0x3], $0x80, s26, s16, $0xb8;
	[tilespmem:$0x1E800] =	vst v63  }
0x37: {  	_ =	swait.ge [sflag:s14], $0x4000  }
0x38: {  	[sflag:s14] =	ssyncset.done $0x0  }
0x39: {  	s26 =	sadd.s32 $0x100, s25;
	[sflag:s14] =	ssyncadd.s32 $0xFFFFC000  }
0x3a: {  	[tilespmem:s17], [sflag:$0x1] =	stream.indirect.gather [hbm4b:s4+s16], $0x80, s26, s16, $0xb8;
	[tilespmem:$0x1E800] =	vst v63  }
0x3b: {  	_ =	swait.ge [sflag:s20], $0x4000  }
0x3c: {  	[sflag:s20] =	ssyncset.done $0x0  }
.Ltmp0:
0x3d: {  	s26 =	sadd.s32 $0x1480, s25;
	[sflag:s20] =	ssyncadd.s32 $0xFFFFC000;
	(pc) =	sbr.rel @p0 .LBB2_2-.Ltmp0, $4  }
0x3e: {  	[spmem:s1] =	stream.indirect.scatter.add.f32 [tilespmem:s18], [sflag:$0x3], $0x80, s26, s16, $0xb8;
	[tilespmem:$0x1E800] =	vst v63  }
0x3f: {  	_ =	swait.ge [sflag:s14], $0x4000  }
0x40: {  	[sflag:s14] =	ssyncset.done $0x0  }
0x41: {  	s25 =	sadd.s32 $0x180, s25;
	[sflag:s14] =	ssyncadd.s32 $0xFFFFC000  }
0x42: {  	[tilespmem:s18], [sflag:$0x2] =	stream.indirect.gather [hbm4b:s4+s16], $0x80, s25, s16, $0xb8;
	[tilespmem:$0x1E800] =	vst v63  }
0x43: {  	_ =	swait.ge [sflag:s19], $0x4000  }
0x44: {  	[sflag:s19] =	ssyncset.done $0x0  }
0x45: {  	[sflag:s19] =	ssyncadd.s32 $0xFFFFC000  }
0x46: {  	[spmem:s1] =	stream.indirect.scatter.add.f32 [tilespmem:s17], [sflag:$0x3], $0x80, s21, s16, $0xb8;
	[tilespmem:$0x1E800] =	vst v63  }
0x47: {  	_ =	swait.ge [sflag:s14], $0x4000  }
0x48: {  	[sflag:s14] =	ssyncset.done $0x0  }
0x49: {  	[sflag:s14] =	ssyncadd.s32 $0xFFFFC000  }
0x4a: {  	_ =	swait.ge [sflag:s20], $0x4000  }
0x4b: {  	[sflag:s20] =	ssyncset.done $0x0  }
0x4c: {  	[sflag:s20] =	ssyncadd.s32 $0xFFFFC000  }
0x4d: {  	[spmem:s1] =	stream.indirect.scatter.add.f32 [tilespmem:s18], [sflag:$0x3], $0x80, s22, s16, $0xb8;
	[tilespmem:$0x1E800] =	vst v63  }
0x4e: {  	_ =	swait.ge [sflag:s14], $0x4000  }
0x4f: {  	[sflag:s14] =	ssyncset.done $0x0  }
0x50: {  	s24 =	simm.s32 $0x0;
	[sflag:s14] =	ssyncadd.s32 $0xFFFFC000  }
0x51: {  	[tilespmem:s24], [sflag:$0x3] =	stream.linear.gather [hbm4b:s9+s24], $0x1400, $0x38;
	[tilespmem:$0x1E800] =	vst v63  }
0x52: {  	_ =	swait.ge [sflag:s14], $0x1400  }
0x53: {  	[sflag:s14] =	ssyncset.done $0x0  }
0x54: {  	[sflag:s14] =	ssyncadd.s32 $0xFFFFEC00  }
0x55: {  	[tilespmem:s15], [sflag:$0x3] =	stream.linear.gather [hbm4b:s10+s24], $0x1400, $0x38;
	[tilespmem:$0x1E800] =	vst v63  }
0x56: {  	_ =	swait.ge [sflag:s14], $0x1400  }
0x57: {  	[sflag:s14] =	ssyncset.done $0x0  }
0x58: {  	[sflag:s14] =	ssyncadd.s32 $0xFFFFEC00  }
0x59: {  	[tilespmem:s17], [sflag:$0x1] =	stream.indirect.gather [hbm4b:s4+s16], $0x80, s24, s16, $0xb8;
	[tilespmem:$0x1E800] =	vst v63  }
0x5a: {  	_ = 	snop  }
0x5b: {  	[tilespmem:s18], [sflag:$0x2] =	stream.indirect.gather [hbm4b:s4+s16], $0x80, s16, s16, $0xb8;
	[tilespmem:$0x1E800] =	vst v63  }
0x5c: {  	_ =	swait.ge [sflag:s19], $0x4000  }
0x5d: {  	[sflag:s19] =	ssyncset.done $0x0  }
0x5e: {  	s29 =	simm.s32 $0x1400;
	[sflag:s19] =	ssyncadd.s32 $0xFFFFC000  }
0x5f: {  	[spmem:s1] =	stream.indirect.scatter.add.f32 [tilespmem:s17], [sflag:$0x3], $0x80, s29, s16, $0xb8;
	[tilespmem:$0x1E800] =	vst v63  }
0x60: {  	_ =	swait.ge [sflag:s14], $0x4000  }
0x61: {  	[sflag:s14] =	ssyncset.done $0x0  }
0x62: {  	s30 =	simm.s32 $0x100;
	[sflag:s14] =	ssyncadd.s32 $0xFFFFC000  }
0x63: {  	[tilespmem:s17], [sflag:$0x1] =	stream.indirect.gather [hbm4b:s4+s16], $0x80, s30, s16, $0xb8;
	[tilespmem:$0x1E800] =	vst v63  }
0x64: {  	_ =	swait.ge [sflag:s20], $0x4000  }
0x65: {  	[sflag:s20] =	ssyncset.done $0x0  }
0x66: {  	s31 =	simm.s32 $0x1480;
	[sflag:s20] =	ssyncadd.s32 $0xFFFFC000  }
0x67: {  	[spmem:s1] =	stream.indirect.scatter.add.f32 [tilespmem:s18], [sflag:$0x3], $0x80, s31, s16, $0xb8;
	[tilespmem:$0x1E800] =	vst v63  }
0x68: {  	_ =	swait.ge [sflag:s14], $0x4000  }
0x69: {  	[sflag:s14] =	ssyncset.done $0x0  }
0x6a: {  	s25 =	simm.s32 $0x180;
	s24 =	simm.s32 $0x400;
	[sflag:s14] =	ssyncadd.s32 $0xFFFFC000  }
.LBB2_4:
0x6b: {  	[tilespmem:s18], [sflag:$0x2] =	stream.indirect.gather [hbm4b:s4+s16], $0x80, s25, s16, $0xb8;
	[tilespmem:$0x1E800] =	vst v63  }
0x6c: {  	s25 =	smov.u32 s24  }
0x6d: {  	p0 =	sne.s32 s24, $0x4800;
	s24 =	sadd.s32 $0x400, s24;
	_ =	swait.ge [sflag:s19], $0x4000  }
0x6e: {  	s25 =	sshra.s32 s25, $0x2;
	[sflag:s19] =	ssyncset.done $0x0  }
0x6f: {  	s26 =	sadd.s32 $0x1400, s25;
	[sflag:s19] =	ssyncadd.s32 $0xFFFFC000  }
0x70: {  	[spmem:s1] =	stream.indirect.scatter.add.f32 [tilespmem:s17], [sflag:$0x3], $0x80, s26, s16, $0xb8;
	[tilespmem:$0x1E800] =	vst v63  }
0x71: {  	_ =	swait.ge [sflag:s14], $0x4000  }
0x72: {  	[sflag:s14] =	ssyncset.done $0x0  }
0x73: {  	s26 =	sadd.s32 $0x100, s25;
	[sflag:s14] =	ssyncadd.s32 $0xFFFFC000  }
0x74: {  	[tilespmem:s17], [sflag:$0x1] =	stream.indirect.gather [hbm4b:s4+s16], $0x80, s26, s16, $0xb8;
	[tilespmem:$0x1E800] =	vst v63  }
0x75: {  	_ =	swait.ge [sflag:s20], $0x4000  }
0x76: {  	[sflag:s20] =	ssyncset.done $0x0  }
.Ltmp1:
0x77: {  	s26 =	sadd.s32 $0x1480, s25;
	[sflag:s20] =	ssyncadd.s32 $0xFFFFC000;
	(pc) =	sbr.rel @p0 .LBB2_4-.Ltmp1, $4  }
0x78: {  	[spmem:s1] =	stream.indirect.scatter.add.f32 [tilespmem:s18], [sflag:$0x3], $0x80, s26, s16, $0xb8;
	[tilespmem:$0x1E800] =	vst v63  }
0x79: {  	_ =	swait.ge [sflag:s14], $0x4000  }
0x7a: {  	[sflag:s14] =	ssyncset.done $0x0  }
0x7b: {  	s25 =	sadd.s32 $0x180, s25;
	[sflag:s14] =	ssyncadd.s32 $0xFFFFC000  }
0x7c: {  	[tilespmem:s18], [sflag:$0x2] =	stream.indirect.gather [hbm4b:s4+s16], $0x80, s25, s16, $0xb8;
	[tilespmem:$0x1E800] =	vst v63  }
0x7d: {  	_ =	swait.ge [sflag:s19], $0x4000  }
0x7e: {  	[sflag:s19] =	ssyncset.done $0x0  }
0x7f: {  	[sflag:s19] =	ssyncadd.s32 $0xFFFFC000  }
0x80: {  	[spmem:s1] =	stream.indirect.scatter.add.f32 [tilespmem:s17], [sflag:$0x3], $0x80, s21, s16, $0xb8;
	[tilespmem:$0x1E800] =	vst v63  }
0x81: {  	_ =	swait.ge [sflag:s14], $0x4000  }
0x82: {  	[sflag:s14] =	ssyncset.done $0x0  }
0x83: {  	[sflag:s14] =	ssyncadd.s32 $0xFFFFC000  }
0x84: {  	_ =	swait.ge [sflag:s20], $0x4000  }
0x85: {  	[sflag:s20] =	ssyncset.done $0x0  }
0x86: {  	[sflag:s20] =	ssyncadd.s32 $0xFFFFC000  }
0x87: {  	[spmem:s1] =	stream.indirect.scatter.add.f32 [tilespmem:s18], [sflag:$0x3], $0x80, s22, s16, $0xb8;
	[tilespmem:$0x1E800] =	vst v63  }
0x88: {  	_ =	swait.ge [sflag:s14], $0x4000  }
0x89: {  	s23 =	sadd.s32 $0x1, s23;
	[sflag:s14] =	ssyncset.done $0x0  }
0x8a: {  	p0 =	sne.s32 s23, s12;
	[sflag:s14] =	ssyncadd.s32 $0xFFFFC000  }
.Ltmp2:
0x8b: {  	[bflag:$0x0] =	sbarrier.arrive $0xFFFF;
	(pc) =	sbr.rel @p0 .LBB2_1-.Ltmp2, $4  }
0x8c: {  	[hbm:s11], [sflag:s6] =	dma.local [spmem:s13], $0x2800  }
0x8d: {  	_ =	swait.ge [sflag:s14], $0x2800  }
0x8e: {  	[sflag:s14] =	ssyncset.done $0x0  }
0x8f: {  	[sflag:s14] =	ssyncadd.s32 $0xFFFFD800  }
0x90: {  	_ =	sfence.sel $0x180000  }
0x91: {  	[bflag:$0x0] =	sbarrier.arrive $0xFFFF  }
0x92: {  	p0 =	sne.s32 s2, $0x0;
	_ =	strace $0x9000004D  }
0x93: {  	s0 =	sadd.s32 @!p0 $0x100000, s0;
	[bflag:$0x2] =	sbarrier.arrive $0xFFFF  }
0x94: {  	[sflag:s0] =	ssyncadd.tile.s32 @!p0 $0x1;
	_ =	shalt  }
.Lfunc_end2:
_tile_overlayer_lowered:
.L_overlay_start_2:
0x95: {  	(tag) =	ssettag $0x2  }
0x96: {  	s0 =	rddreg [dreg:$0x0];
	s2 =	stileid.u32  }
0x97: {  	s1 =	rddreg [dreg:$0x1];
	p0 =	sne.s32 s2, $0x0  }
0x98: {  	s3 =	rddreg [dreg:$0x2];
	[bflag:$0x3] =	sbarrier.arrive $0xFFFF;
	s2 =	simm.s32 @!p0 $0x1C03  }
0x99: {  	[timem:s3], [sflag:s2] =	dma.local @!p0 [hbm:s0], s1  }
0x9a: {  	s0 =	simm.s32 @!p0 $0x3  }
0x9b: {  	_ =	swait.ge @!p0 [sflag:s0], s1  }
0x9c: {  	s1 =	ssub.s32 @!p0 $0x0, s1;
	[sflag:s0] =	ssyncset.done @!p0 $0x0  }
0x9d: {  	[sflag:s0] =	ssyncadd.s32 @!p0 s1  }
0x9e: {  	[bflag:$0x3] =	sbarrier.arrive $0xFFFF  }
0x9f: {  	_ =	shalt  }

// kernel: kernel.9.cloned.1.call-start
scs
__scs_entry_jumppad:
0x0: {  	(pc) =	sbr.rel $0x88, $3  }
0x1: {  	(tag) =	ssettag $0x0;
	lr =	simm.s32 $0x1  }
0x2: {  	[smem:$0x3F98] =	sst lr;
	_ =	strace $0xD0000000  }
0x3: {  	_ = 	snop  }
0x4: {  	_ = 	snop  }
0x5: {  	_ = 	snop  }
0x6: {  	_ = 	snop  }
0x7: {  	_ = 	snop  }
__scs_overlays_trampoline_lowered:
0x8: {  	[smem:$0x3FA7] =	sst s0  }
0x9: {  	[smem:$0x3FA8] =	sst s1  }
0xa: {  	[smem:$0x3FA9] =	sst s2  }
0xb: {  	[smem:$0x3FAA] =	sst s3  }
0xc: {  	[smem:$0x3FAB] =	sst s4  }
0xd: {  	[smem:$0x3FAC] =	sst s5  }
0xe: {  	[smem:$0x3FAD] =	sst s6  }
0xf: {  	[smem:$0x3FAE] =	sst s7  }
0x10: {  	[smem:$0x3FAF] =	sst s8  }
0x11: {  	[smem:$0x3FB0] =	sst s9;
	s0 =	simm.s32 @!p0 $0x0  }
0x12: {  	s1 =	sld [smem:$0x3F96];
	s0 =	simm.s32 @p0 $0x1  }
0x13: {  	[smem:$0x3FB1] =	sst s0;
	s0 =	simm.s32 @!p1 $0x0  }
0x14: {  	s2 =	sld [smem:$0x3F95];
	s0 =	simm.s32 @p1 $0x1  }
0x15: {  	[smem:$0x3FB2] =	sst s0;
	s0 =	simm.s32 @!p2 $0x0  }
0x16: {  	s3 =	sld [smem:$0x3FDB];
	s0 =	simm.s32 @p2 $0x1  }
0x17: {  	s4 =	simm.s32 $0x1BF5;
	[smem:$0x3FB4] =	sst s0  }
0x18: {  	s0 =	sld [smem:$0x3F97];
	_ =	swait.ge [sflag:s4], $0x0  }
0x19: {  	s7 =	sld [smem:$0x3F98]  }
0x1a: {  	s8 =	sadd.s32 $0xFFFFE003, lr  }
0x1b: {  	s9 =	sadd.s32 $0xFFFFFEF7, lr;
	s5 =	simm.s32 $0xFFFFFFFF;
	p2 =	slt.u32 s8, $0xFFFFF086  }
0x1c: {  	p1 =	slt.u32 s9, $0xF7A;
	s5 =	simm.s32 @!p2 $0x0  }
0x1d: {  	s5 =	simm.s32 @p1 $0x1;
	p0 =	seq.s32 s7, s2  }
0x1e: {  	s7 =	smul.u32 @!p0 $0xF7A, s2;
	p2 =	seq.s32 @!p0 s5, $0x0  }
0x1f: {  	s9 =	smul.u32 $0xF7A, s1;
	s8 =	simm.s32 @!p0 $0x1BF5;
	p2 =	por !p2, p0  }
0x20: {  	[sflag:s8] =	ssyncset.s32 @!p0 $0xFFFFF086;
	s6 =	sadd.s32 @!p0 s3, s7;
	s7 =	simm.s32 @!p0 $0x108  }
0x21: {  	s3 =	sadd.s32 s3, s9;
	s6 =	sadd.s32 @!p0 $0x88, s6;
	s7 =	simm.s32 @p2 $0x1082  }
0x22: {  	[simem:s7], [sflag:s8] =	dma.local @!p0 [hbm:s6], $0xF7A  }
0x23: {  	s9 =	sor.u32 $0xD0000000, s2;
	s6 =	simm.s32 $0x108;
	_ =	swait.ge @!p0 [sflag:s8], $0x0  }
0x24: {  	s3 =	sadd.s32 $0x88, s3;
	s6 =	simm.s32 @!p1 $0x1082;
	[sflag:s4] =	ssyncset.s32 $0xFFFFF086  }
0x25: {  	[simem:s6], [sflag:s4] =	dma.local [hbm:s3], $0xF7A  }
0x26: {  	[smem:$0x3F98] =	sst s1;
	(tag) =	ssettag s2;
	_ =	strace s9  }
0x27: {  	s1 =	sld [smem:$0x3FA8]  }
0x28: {  	s2 =	sld [smem:$0x3FA9]  }
0x29: {  	s4 =	sld [smem:$0x3FAB]  }
0x2a: {  	p0 =	seq.s32 s5, $0x0;
	s5 =	sld [smem:$0x3FAC]  }
0x2b: {  	s6 =	sld [smem:$0x3FAD]  }
0x2c: {  	s7 =	sld [smem:$0x3FAE]  }
0x2d: {  	s3 =	simm.s32 $0x108;
	s8 =	sld [smem:$0x3FAF]  }
0x2e: {  	s3 =	simm.s32 @!p0 $0x1082;
	s9 =	sld [smem:$0x3FB0]  }
0x2f: {  	lr =	sadd.s32 s0, s3;
	s0 =	sld [smem:$0x3FA7]  }
0x30: {  	s3 =	sld [smem:$0x3FAA]  }
0x31: {  	[smem:$0x3FB3] =	sst s10  }
0x32: {  	s10 =	sld [smem:$0x3FB1];
	_ =	sdelay $0x3  }
0x33: {  	p0 =	seq.s32 s10, $0x1;
	s10 =	sld [smem:$0x3FB3];
	_ =	sdelay $0x3  }
0x34: {  	[smem:$0x3FB3] =	sst s10  }
0x35: {  	s10 =	sld [smem:$0x3FB2];
	_ =	sdelay $0x3  }
0x36: {  	p1 =	seq.s32 s10, $0x1;
	s10 =	sld [smem:$0x3FB3];
	_ =	sdelay $0x3  }
0x37: {  	[smem:$0x3FB3] =	sst s10  }
0x38: {  	s10 =	sld [smem:$0x3FB4]  }
0x39: {  	_ = 	snop;
	(pc) =	sbr.ind lr, $3  }
0x3a: {  	_ = 	snop  }
0x3b: {  	_ = 	snop  }
0x3c: {  	p2 =	seq.s32 s10, $0x1;
	s10 =	sld [smem:$0x3FB3]  }
0x3d: {  	_ =	shalt  }
0x3e: {  	_ =	shalt  }
0x3f: {  	_ =	shalt  }
0x40: {  	_ =	shalt  }
0x41: {  	_ =	shalt  }
0x42: {  	_ =	shalt  }
0x43: {  	_ =	shalt  }
0x44: {  	_ =	shalt  }
0x45: {  	_ =	shalt  }
0x46: {  	_ =	shalt  }
0x47: {  	_ =	shalt  }
0x48: {  	_ =	shalt  }
0x49: {  	_ =	shalt  }
0x4a: {  	_ =	shalt  }
0x4b: {  	_ =	shalt  }
0x4c: {  	_ =	shalt  }
0x4d: {  	_ =	shalt  }
0x4e: {  	_ =	shalt  }
0x4f: {  	_ =	shalt  }
0x50: {  	_ =	shalt  }
0x51: {  	_ =	shalt  }
0x52: {  	_ =	shalt  }
0x53: {  	_ =	shalt  }
0x54: {  	_ =	shalt  }
0x55: {  	_ =	shalt  }
0x56: {  	_ =	shalt  }
0x57: {  	_ =	shalt  }
0x58: {  	_ =	shalt  }
0x59: {  	_ =	shalt  }
0x5a: {  	_ =	shalt  }
0x5b: {  	_ =	shalt  }
0x5c: {  	_ =	shalt  }
0x5d: {  	_ =	shalt  }
0x5e: {  	_ =	shalt  }
0x5f: {  	_ =	shalt  }
0x60: {  	_ =	shalt  }
0x61: {  	_ =	shalt  }
0x62: {  	_ =	shalt  }
0x63: {  	_ =	shalt  }
0x64: {  	_ =	shalt  }
0x65: {  	_ =	shalt  }
0x66: {  	_ =	shalt  }
0x67: {  	_ =	shalt  }
0x68: {  	_ =	shalt  }
0x69: {  	_ =	shalt  }
0x6a: {  	_ =	shalt  }
0x6b: {  	_ =	shalt  }
0x6c: {  	_ =	shalt  }
0x6d: {  	_ =	shalt  }
0x6e: {  	_ =	shalt  }
0x6f: {  	_ =	shalt  }
0x70: {  	_ =	shalt  }
0x71: {  	_ =	shalt  }
0x72: {  	_ =	shalt  }
0x73: {  	_ =	shalt  }
0x74: {  	_ =	shalt  }
0x75: {  	_ =	shalt  }
0x76: {  	_ =	shalt  }
0x77: {  	_ =	shalt  }
0x78: {  	_ =	shalt  }
0x79: {  	_ =	shalt  }
0x7a: {  	_ =	shalt  }
0x7b: {  	_ =	shalt  }
0x7c: {  	_ =	shalt  }
0x7d: {  	_ =	shalt  }
0x7e: {  	_ =	shalt  }
0x7f: {  	_ =	shalt  }
0x80: {  	_ =	shalt  }
0x81: {  	_ =	shalt  }
0x82: {  	_ =	shalt  }
0x83: {  	_ =	shalt  }
0x84: {  	_ =	shalt  }
0x85: {  	_ =	shalt  }
0x86: {  	_ =	shalt  }
0x87: {  	_ =	shalt  }
.Lfunc_end0:
.L_simem_size_0:
called_computation_lowered:
.L_overlay_start_0:
0x88: {  	s2 =	sld [smem:$0x3FD9]  }
0x89: {  	s3 =	sld [smem:$0x3FFE];
	_ =	sdelay $0x1  }
0x8a: {  	s1 =	srdreg.scid  }
0x8b: {  	s0 =	sand.u32 $0x1, s1  }
0x8c: {  	s16 =	sshll.u32 s0, $0xA;
	s2 =	sadd.s32 s3, s2  }
0x8d: {  	s2 =	sadd.s32 s2, s16  }
0x8e: {  	[smem:$0x3FBF] =	sst s2  }
0x8f: {  	_ = 	snop  }
0x90: {  	(tm) =	ssettm $0x1  }
0x91: {  	s17 =	sld [smem:$0x3FFB];
	_ =	sdelay $0x3  }
0x92: {  	_ =	strace s17  }
0x93: {  	s2 =	sld [smem:$0x3FFC];
	_ =	sdelay $0x3  }
0x94: {  	_ =	strace s2  }
0x95: {  	s2 =	sld [smem:$0x3FFD];
	_ =	sdelay $0x3  }
0x96: {  	_ =	strace s2  }
0x97: {  	_ =	strace $0x8FFFFFFF  }
0x98: {  	s18 =	sld [smem:$0x3FDB];
	_ =	sdelay $0x1  }
0x99: {  	s19 =	simm.s32 $_scs_section_size  }
0x9a: {  	s4 =	simm.s32 $_size__tile_overlayer_lowered;
	s5 =	simm.s32 $_tile_overlayer_lowered  }
0x9b: {  	s22 =	simm.s32 $0x1BFF;
	s21 =	sshll.u32 s5, $0x1;
	s2 =	sadd.s32 s19, s18  }
0x9c: {  	s6 =	simm.s32 $0x0;
	s20 =	sshll.u32 s4, $0x1;
	s4 =	sadd.s32 s21, s2  }
0x9d: {  	[timem:s6], [sflag:s22] =	dma.local [hbm:s4], s20  }
0x9e: {  	_ =	swait.ge [sflag:s22], s20  }
0x9f: {  	s3 =	ssub.s32 $0x0, s20;
	[sflag:s22] =	ssyncset.done $0x0  }
0xa0: {  	[sflag:s22] =	ssyncadd.s32 s3;
	_ =	sdelay $0x1  }
0xa1: {  	s23 =	simm.s32 $0x1B8B  }
0xa2: {  	_ =	swait.ge [sflag:s23], $0x1  }
0xa3: {  	[sflag:s23] =	ssyncset.done $0x0  }
0xa4: {  	s25 =	simm.s32 $0x1B8E;
	s24 =	sld [smem:$0x3FFE];
	[sflag:s23] =	ssyncadd.s32 $0xFFFFFFFF  }
0xa5: {  	s26 =	simm.s32 $execute0_lowered;
	[smem:$0x3FD2] =	sst s25  }
0xa6: {  	s4 =	sshll.u32 s26, $0x1;
	_ =	strace $0x80000046;
	[dreg:$0x1] =	wrdreg $0xFFFFFFFF  }
0xa7: {  	s28 =	simm.s32 $_size_execute0_lowered;
	s2 =	sadd.s32 s2, s4;
	[dreg:$0x0] =	wrdreg $0x0  }
0xa8: {  	s4 =	sshll.u32 s28, $0x1;
	[dreg:$0x2] =	wrdreg s2  }
0xa9: {  	[dreg:$0x3] =	wrdreg s4  }
0xaa: {  	[dreg:$0x4] =	wrdreg $0xC0  }
0xab: {  	_ =	task [dreg:s6], $0x5FFFF  }
0xac: {  	[dreg:$0x1] =	wrdreg $0xFFFFFFFF  }
0xad: {  	[dreg:$0x0] =	wrdreg $0x60  }
0xae: {  	[dreg:$0x2] =	wrdreg s24  }
0xaf: {  	[dreg:$0x3] =	wrdreg $0x9  }
0xb0: {  	_ =	task.clear_ibuf [dreg:s6], $0x4FFFF;
	_ =	strace $0x90000046  }
0xb1: {  	s29 =	simm.s32 $0x9;
	_ =	strace $0x80000048  }
0xb2: {  	_ =	swait.ge [sflag:s29], $0x1  }
0xb3: {  	[sflag:s29] =	ssyncadd.s32 $0xFFFFFFFF  }
0xb4: {  	_ =	strace $0x90000048  }
0xb5: {  	_ =	sfence  }
0xb6: {  	s30 =	sld [smem:$0x0];
	_ =	sdelay $0x2  }
0xb7: {  	s31 =	sshll.u32 s1, $0xD;
	s1 =	sshrl.u32 s1, $0x2  }
0xb8: {  	s3 =	sand.u32 $0x4000, s31;
	s1 =	sadd.s32 s1, s30  }
0xb9: {  	s0 =	sor.u32 s3, s0;
	s1 =	sshll.u32 s1, $0x11  }
0xba: {  	s0 =	sor.u32 s1, s0  }
0xbb: {  	s0 =	sadd.s32 $0x8F2B, s0  }
0xbc: {  	[sflag:s0] =	ssyncadd.remote.s32 $0x1  }
0xbd: {  	_ =	sfence.sel $0xFFFF  }
0xbe: {  	[dreg:$0x0] =	wrdreg $0xFFFFFFFF;
	(pc) =	sbr.abs _section_cstart, $3  }
0xbf: {  	[dreg:$0x1] =	wrdreg $0xFFFFFFFF  }
0xc0: {  	_ =	task.clear_ibuf [dreg:s6], $0x2FFFF;
	_ =	strace $0x9FFFFFFF  }
0xc1: {  	(tm) =	ssettm $0x7FFFFFFF  }
tec
execute0_lowered:
.L_overlay_start_1:
0x0: {  	(tag) =	ssettag $0x1  }
0x1: {  	s0 =	srdreg.scid  }
0x2: {  	s4 =	rddreg [dreg:$0x0];
	s2 =	simm.s32 $0x0;
	s3 =	sand.u32 $0x1, s0  }
0x3: {  	s8 =	simm.s32 $0x1;
	s0 =	stileid.u32;
	s1 =	sshll.u32 s3, $0x4  }
0x4: {  	s9 =	simm.s32 $0x80;
	s10 =	simm.s32 $0x400;
	s5 =	sor.u32 s0, s1  }
0x5: {  	s11 =	simm.s32 $0x0;
	[smem:$0x7FF] =	sst s2;
	s6 =	sshrl.u32 s5, $0x3  }
0x6: {  	s7 =	sshll.u32 s0, $0x7;
	s30 =	ssub.s32 $0x2, s3;
	s6 =	smul.u32 $0x14000, s6  }
0x7: {  	s3 =	sadd.s32 $0x16A00, s4;
	s7 =	sand.u32 $0x380, s7;
	s5 =	smul.u32 $0x500, s5  }
0x8: {  	s1 =	rddreg [dreg:$0x1];
	_ =	strace $0x80000047;
	s6 =	sor.u32 s7, s6  }
0x9: {  	s31 =	sshrl.u32 s30, $0x1;
	s5 =	sadd.s32 s5, s4;
	s6 =	sshrl.u32 s6, $0x3  }
0xa: {  	s7 =	ssub.s32 s30, s31;
	s6 =	sadd.s32 s6, s4;
	s4 =	sadd.s32 $0xCA00, s5  }
0xb: {  	v0 =	vimm.f32 $1.000000000e+00;
	s5 =	sadd.s32 $0x17000, s6;
	s6 =	smax.u32 s7, $0x1;
	s7 =	simm.s32 $0x2800  }
.LBB2_1:
0xc: {  	[tilespmem:s7], [sflag:$0x1] =	stream.linear.gather [hbm4b:s3+s2], $0x2800, $0x38;
	[tilespmem:$0x5000] =	vst v63  }
0xd: {  	_ =	swait.ge [sflag:s8], $0x2800  }
0xe: {  	[sflag:s8] =	ssyncset.done $0x0  }
0xf: {  	[sflag:s8] =	ssyncadd.s32 $0xFFFFD800  }
0x10: {  	[tilespmem:s2], [sflag:$0x1] =	stream.linear.gather [hbm4b:s4+s2], $0x2800, $0x38;
	[tilespmem:$0x5000] =	vst v63  }
0x11: {  	_ =	swait.ge [sflag:s8], $0x2800  }
0x12: {  	[sflag:s8] =	ssyncset.done $0x0  }
0x13: {  	s12 =	simm.s32 $0x0;
	[sflag:s8] =	ssyncadd.s32 $0xFFFFD800  }
.LBB2_2:
0x14: {  	s13 =	sshra.s32 s12, $0x2  }
0x15: {  	v1 =	vld [tilespmem:s13+$0x0];
	_ =	sdelay $0x7  }
0x16: {  	[tilespmem:v1+s7+$0x0] =	vst.idx.add.f32.msk $0xffff, v0  }
0x17: {  	v1 =	vld [tilespmem:s13+$0x10];
	_ =	sdelay $0x7  }
0x18: {  	[tilespmem:v1+s7+$0x0] =	vst.idx.add.f32.msk $0xffff, v0  }
0x19: {  	v1 =	vld [tilespmem:s13+$0x20];
	_ =	sdelay $0x7  }
0x1a: {  	[tilespmem:v1+s7+$0x0] =	vst.idx.add.f32.msk $0xffff, v0  }
0x1b: {  	v1 =	vld [tilespmem:s13+$0x30];
	_ =	sdelay $0x7  }
0x1c: {  	[tilespmem:v1+s7+$0x0] =	vst.idx.add.f32.msk $0xffff, v0  }
0x1d: {  	v1 =	vld [tilespmem:s13+$0x40];
	_ =	sdelay $0x7  }
0x1e: {  	[tilespmem:v1+s7+$0x0] =	vst.idx.add.f32.msk $0xffff, v0  }
0x1f: {  	v1 =	vld [tilespmem:s13+$0x50];
	_ =	sdelay $0x7  }
0x20: {  	[tilespmem:v1+s7+$0x0] =	vst.idx.add.f32.msk $0xffff, v0  }
0x21: {  	v1 =	vld [tilespmem:s13+$0x60];
	_ =	sdelay $0x7  }
0x22: {  	[tilespmem:v1+s7+$0x0] =	vst.idx.add.f32.msk $0xffff, v0  }
0x23: {  	v1 =	vld [tilespmem:s13+$0x70];
	_ =	sdelay $0x2  }
0x24: {  	p0 =	sne.s32 s12, $0x9E00  }
.Ltmp0:
0x25: {  	_ = 	snop;
	(pc) =	sbr.rel @p0 .LBB2_2-.Ltmp0, $2  }
0x26: {  	_ =	sdelay $0x2  }
0x27: {  	s12 =	sadd.s32 $0x200, s12;
	[tilespmem:v1+s7+$0x0] =	vst.idx.add.f32.msk $0xffff, v0  }
0x28: {  	s11 =	sadd.s32 $0x1, s11  }
0x29: {  	p0 =	sne.s32 s11, s6  }
.Ltmp1:
0x2a: {  	_ = 	snop;
	(pc) =	sbr.rel @p0 .LBB2_1-.Ltmp1, $4  }
0x2b: {  	[hbm4b:s5+s9] =	stream.strided.scatter [tilespmem:s7], [sflag:$0x1], $0x2800, s10, s9, $0x38;
	[tilespmem:$0x5000] =	vst v63  }
0x2c: {  	_ =	swait.ge [sflag:s8], $0x2800  }
0x2d: {  	[sflag:s8] =	ssyncset.done $0x0  }
0x2e: {  	[sflag:s8] =	ssyncadd.s32 $0xFFFFD800  }
0x2f: {  	_ =	sfence.sel $0x180000  }
0x30: {  	[bflag:$0x0] =	sbarrier.arrive $0xFFFF  }
0x31: {  	p0 =	sne.s32 s0, $0x0;
	_ =	strace $0x90000047  }
0x32: {  	s0 =	sadd.s32 @!p0 $0x100000, s1;
	[bflag:$0x2] =	sbarrier.arrive $0xFFFF  }
0x33: {  	[sflag:s0] =	ssyncadd.tile.s32 @!p0 $0x1;
	_ =	shalt  }
.Lfunc_end2:
_tile_overlayer_lowered:
.L_overlay_start_2:
0x34: {  	(tag) =	ssettag $0x2  }
0x35: {  	s0 =	rddreg [dreg:$0x0];
	s2 =	stileid.u32  }
0x36: {  	s1 =	rddreg [dreg:$0x1];
	p0 =	sne.s32 s2, $0x0  }
0x37: {  	s3 =	rddreg [dreg:$0x2];
	[bflag:$0x3] =	sbarrier.arrive $0xFFFF;
	s2 =	simm.s32 @!p0 $0x1C01  }
0x38: {  	[timem:s3], [sflag:s2] =	dma.local @!p0 [hbm:s0], s1  }
0x39: {  	s0 =	simm.s32 @!p0 $0x1  }
0x3a: {  	_ =	swait.ge @!p0 [sflag:s0], s1  }
0x3b: {  	s1 =	ssub.s32 @!p0 $0x0, s1;
	[sflag:s0] =	ssyncset.done @!p0 $0x0  }
0x3c: {  	[sflag:s0] =	ssyncadd.s32 @!p0 s1  }
0x3d: {  	[bflag:$0x3] =	sbarrier.arrive $0xFFFF  }
0x3e: {  	_ =	shalt  }

</sc_bundles>
